<compile_context>
chip_gen: v7x
topology: tpu7x:2x2x1
jax: 0.10.2.dev20260603
libtpu: 0.0.44.dev20260713+nightly
codegen_flags: <defaults>
</compile_context>

<pallas_src>
import functools

import jax
import jax.numpy as jnp
import numpy as np
from jax import lax
from jax.experimental import pallas as pl
from jax.experimental.pallas import tpu as pltpu
from jax.experimental.pallas import tpu_sc as plsc

N_NODES = 10000
D_FEAT = 128
N_EDGES = 320000

NC = 2
NS = 16
DW = 128
DEGW = 8
HALF = 5120
R_SC = 5136
ROWS_OUT = R_SC // NS
DUM_LOCAL = HALF
CHUNK = 64
NBUF = 4
EPS = 20480
E_PAD = NS * EPS
CBUF = EPS + CHUNK
NVEC = EPS // 16

_HARM = np.cumsum((1.0 / np.arange(1, 8)).astype(np.float32), dtype=np.float32)


def _sc_segment_sum(x_f32, rows2, cols2, zsum, zdeg, ones_h):
    mesh = plsc.VectorSubcoreMesh(core_axis_name="c", subcore_axis_name="s")

    @functools.partial(
        pl.kernel,
        out_type=(
            jax.ShapeDtypeStruct((NC, R_SC, DW), jnp.float32),
            jax.ShapeDtypeStruct((NC, R_SC, DEGW), jnp.float32),
        ),
        mesh=mesh,
        scratch_types=[
            pltpu.VMEM((CBUF,), jnp.int32),
            pltpu.VMEM((CBUF,), jnp.int32),
        ]
        + [pltpu.VMEM((CHUNK, DW), jnp.float32) for _ in range(NBUF)]
        + [
            pltpu.VMEM((CHUNK, DEGW), jnp.float32),
            pltpu.VMEM_SHARED((R_SC, DW), jnp.float32),
            pltpu.VMEM_SHARED((R_SC, DEGW), jnp.float32),
        ]
        + [pltpu.SemaphoreType.DMA for _ in range(NBUF)],
        compiler_params=pltpu.CompilerParams(use_tc_tiling_on_sc=False, needs_layout_passes=False),
    )
    def k(x_hbm, rows_hbm, cols_hbm, zsum_hbm, zdeg_hbm, ones_hbm,
          sum_out, deg_out,
          crow, ccol, *bufs_and_rest):
        bufs = bufs_and_rest[:NBUF]
        ones_t, sum_sh, deg_sh = bufs_and_rest[NBUF:NBUF + 3]
        sems = bufs_and_rest[NBUF + 3:]
        c = lax.axis_index("c")
        s = lax.axis_index("s")
        base = s * ROWS_OUT
        lo = c * HALF

        pltpu.sync_copy(zsum_hbm, sum_sh.at[pl.ds(base, ROWS_OUT)])
        pltpu.sync_copy(zdeg_hbm, deg_sh.at[pl.ds(base, ROWS_OUT)])
        pltpu.sync_copy(ones_hbm, ones_t)
        pltpu.sync_copy(rows_hbm.at[s], crow.at[pl.ds(0, EPS)])
        pltpu.sync_copy(cols_hbm.at[s], ccol.at[pl.ds(0, EPS)])

        def compact(kk, off):
            rd = kk * 16
            rl = crow[pl.ds(rd, 16)] - lo
            cv = ccol[pl.ds(rd, 16)]
            m = (rl >= 0) & (rl < HALF)
            mi = m.astype(jnp.int32)
            pos = off + plsc.cumsum(mi) - 1
            plsc.store_scatter(crow, [pos], rl, mask=m)
            plsc.store_scatter(ccol, [pos], cv, mask=m)
            return off + plsc.all_reduce_population_count(m)[0]

        total = lax.fori_loop(jnp.int32(0), jnp.int32(NVEC), compact,
                              jnp.int32(0))

        nch = (total + (CHUNK - 1)) // CHUNK
        ntail = nch * CHUNK - total
        dumr = jnp.full((16,), DUM_LOCAL, jnp.int32)
        dumc = jnp.zeros((16,), jnp.int32)

        def tail(t, off):
            crow[pl.ds(off, 16)] = dumr
            ccol[pl.ds(off, 16)] = dumc
            return off + 16

        lax.fori_loop(jnp.int32(0), (ntail + 15) // 16, tail, total)
        plsc.subcore_barrier()

        for i in range(NBUF - 1):
            @pl.when(jnp.int32(i) < nch)
            def _(i=i):
                pltpu.async_copy(
                    x_hbm.at[ccol.at[pl.ds(jnp.int32(i * CHUNK), CHUNK)]],
                    bufs[i], sems[i])

        def body(t, carry):
            for b in range(NBUF):
                @pl.when(lax.rem(t, jnp.int32(NBUF)) == b)
                def _(b=b):
                    cur = bufs[b]
                    nb = (b + NBUF - 1) % NBUF
                    pltpu.make_async_copy(
                        x_hbm.at[ccol.at[pl.ds(t * CHUNK, CHUNK)]],
                        cur, sems[b]).wait()

                    @pl.when(t + (NBUF - 1) < nch)
                    def _():
                        pltpu.async_copy(
                            x_hbm.at[
                                ccol.at[pl.ds((t + (NBUF - 1)) * CHUNK,
                                              CHUNK)]],
                            bufs[nb], sems[nb])

                    pltpu.sync_copy(
                        cur, sum_sh.at[crow.at[pl.ds(t * CHUNK, CHUNK)]],
                        add=True)
                    pltpu.sync_copy(
                        ones_t, deg_sh.at[crow.at[pl.ds(t * CHUNK, CHUNK)]],
                        add=True)
            return carry

        lax.fori_loop(jnp.int32(0), nch, body, jnp.int32(0))
        plsc.subcore_barrier()

        pltpu.sync_copy(sum_sh.at[pl.ds(base, ROWS_OUT)],
                        sum_out.at[c, pl.ds(base, ROWS_OUT)])
        pltpu.sync_copy(deg_sh.at[pl.ds(base, ROWS_OUT)],
                        deg_out.at[c, pl.ds(base, ROWS_OUT)])

    return k(x_f32, rows2, cols2, zsum, zdeg, ones_h)


def _i0():
    return jnp.int32(0)


def _tc_combine_kernel(x_ref, wt_ref, sum_ref, deg_ref, out_ref):
    x = x_ref[...]
    sumn = sum_ref[...]
    degc = deg_ref[...][:, :1]
    safe = jnp.maximum(degc, 1.0)
    mean = sumn / safe
    h = _HARM
    hd1 = jnp.where(
        degc < 1.5, jnp.where(degc < 0.5, h[0], h[1]),
        jnp.where(degc < 3.5,
                  jnp.where(degc < 2.5, h[2], h[3]),
                  jnp.where(degc < 4.5, h[4],
                            jnp.where(degc < 5.5, h[5], h[6]))))
    exact = (x * hd1 - mean * (hd1 - 1.0)) / (degc + 1.0)
    contrib = jnp.where(degc < 0.5, jnp.zeros_like(x),
                        jnp.where(degc < 5.5, exact, mean))
    shap = x + contrib
    acc = jnp.dot(shap, wt_ref[...], preferred_element_type=jnp.float32,
                  precision=lax.Precision.HIGHEST)
    out_ref[...] = jnp.maximum(acc, 0.0)


def _tc_combine(x, wt, sum_full, deg_full):
    br = 1000
    grid = (N_NODES // br,)
    return pl.pallas_call(
        _tc_combine_kernel,
        grid=grid,
        in_specs=[
            pl.BlockSpec((br, D_FEAT), lambda i: (i, _i0())),
            pl.BlockSpec((D_FEAT, D_FEAT), lambda i: (_i0(), _i0())),
            pl.BlockSpec((br, DW), lambda i: (i, _i0())),
            pl.BlockSpec((br, DEGW), lambda i: (i, _i0())),
        ],
        out_specs=pl.BlockSpec((br, D_FEAT), lambda i: (i, _i0())),
        out_shape=jax.ShapeDtypeStruct((N_NODES, D_FEAT), jnp.float32),
    )(x, wt, sum_full, deg_full)


def kernel(x, edge_index, W):
    x = x.astype(jnp.float32)
    row = edge_index[0].astype(jnp.int32)
    col = edge_index[1].astype(jnp.int32)
    n_pad = E_PAD - N_EDGES
    rows2 = jnp.concatenate(
        [row, jnp.full((n_pad,), N_NODES, jnp.int32)]).reshape(NS, EPS)
    cols2 = jnp.concatenate(
        [col, jnp.zeros((n_pad,), jnp.int32)]).reshape(NS, EPS)
    zsum = jnp.zeros((ROWS_OUT, DW), jnp.float32)
    zdeg = jnp.zeros((ROWS_OUT, DEGW), jnp.float32)
    ones_h = jnp.ones((CHUNK, DEGW), jnp.float32)

    sum_out, deg_out = _sc_segment_sum(x, rows2, cols2, zsum, zdeg, ones_h)
    sum_full = sum_out[:, :HALF, :].reshape(NC * HALF, DW)
    deg_full = deg_out[:, :HALF, :].reshape(NC * HALF, DEGW)
    wt = W.astype(jnp.float32).T
    return _tc_combine(x, wt, sum_full, deg_full).astype(jnp.float64)

# --- scband reference (transcript-rebuilt; emitter-appended) ---
"""Pipeline reference for scband-shapley-gnnlayer-44770739093928 (READ-ONLY COPY).

The authoritative reference and input builder live on the scoring server;
editing this copy changes nothing except your own understanding.
"""

import jax, jax.numpy as jnp
import numpy as np
jax.config.update("jax_enable_x64", True)

N_NODES = 10000
N_EDGES = 320000
D_FEAT = 128


def setup_inputs(seed: int = 0) -> dict:
    key = jax.random.key(seed)
    k1, k2, k3 = jax.random.split(key, 3)
    x = jax.random.normal(k1, (N_NODES, D_FEAT), dtype=jnp.float32)
    edge_index = jax.random.randint(k2, (2, N_EDGES), 0, N_NODES, dtype=jnp.int64)
    # Linear(in_channels=128, out_channels=128, bias=False) -> W: [out, in]
    W = jax.random.normal(k3, (D_FEAT, D_FEAT), dtype=jnp.float32) * (1.0 / np.sqrt(D_FEAT))
    return {"x": x, "edge_index": edge_index, "W": W}


def reference(x, edge_index, W):
    # Faithful vectorization of ShapleyGNNLayer.forward.
    # Math facts used (identical results, no approximation change):
    # 1) deg > 5 branch: each sampled permutation's marginal contributions telescope
    #    to v(all neighbors) - v(empty) = mean(x[neighbors]); averaging over the 10
    #    samples gives exactly mean(x[neighbors]) regardless of the random shuffles.
    # 2) deg <= 5 branch: exact Shapley value of node i among players {i} U neighbors
    #    for the game v(S) = mean_{j in S} x_j (v(empty)=0) has closed form
    #    phi_i = (x_i * H_{d+1} - mean_N * (H_{d+1} - 1)) / (d + 1),
    #    with H_m the m-th harmonic number and d the (multiset) neighbor count.
    # 3) deg == 0: shapley_matrix[i] = x[i].
    N = x.shape[0]
    row, col = edge_index[0], edge_index[1]
    deg = jnp.bincount(row, length=N)
    sum_neigh = jax.ops.segment_sum(x[col], row, num_segments=N)
    degf = deg.astype(x.dtype)
    safe_deg = jnp.maximum(degf, 1.0)
    mean_neigh = sum_neigh / safe_deg[:, None]
    harm = jnp.cumsum(1.0 / jnp.arange(1, 8, dtype=x.dtype))  # harm[k] = H_{k+1}
    Hd1 = harm[jnp.clip(deg, 0, 6)]
    exact = (x * Hd1[:, None] - mean_neigh * (Hd1 - 1.0)[:, None]) / (degf + 1.0)[:, None]
    contrib = jnp.where((deg == 0)[:, None], jnp.zeros_like(x),
                        jnp.where((deg <= 5)[:, None], exact, mean_neigh))
    shapley = x + contrib
    out = jnp.maximum(shapley @ W.T, 0.0)
    return out

if __name__ == "__main__":
    import jax
    _d = setup_inputs()
    print(jax.jit(kernel)(*tuple(_d.values())))

</pallas_src>

<mosaic_0001>
#map = affine_map<(d0, d1) -> (0, 0)>
#map1 = affine_map<(d0, d1) -> (0, 0, 0)>
module attributes {stable_mosaic.version = 14 : i64} {
  func.func @k(%arg0: i32, %arg1: i32, %arg2: memref<10000x128xf32, #tpu.memory_space<hbm>>, %arg3: memref<16x20480xi32, #tpu.memory_space<hbm>>, %arg4: memref<16x20480xi32, #tpu.memory_space<hbm>>, %arg5: memref<321x128xf32, #tpu.memory_space<hbm>>, %arg6: memref<321x8xf32, #tpu.memory_space<hbm>>, %arg7: memref<64x8xf32, #tpu.memory_space<hbm>>, %arg8: memref<2x5136x128xf32, #tpu.memory_space<hbm>>, %arg9: memref<2x5136x8xf32, #tpu.memory_space<hbm>>, %arg10: memref<20544xi32, #tpu.memory_space<vmem>>, %arg11: memref<20544xi32, #tpu.memory_space<vmem>>, %arg12: memref<64x128xf32, #tpu.memory_space<vmem>>, %arg13: memref<64x128xf32, #tpu.memory_space<vmem>>, %arg14: memref<64x128xf32, #tpu.memory_space<vmem>>, %arg15: memref<64x128xf32, #tpu.memory_space<vmem>>, %arg16: memref<64x8xf32, #tpu.memory_space<vmem>>, %arg17: memref<5136x128xf32, #tpu.memory_space<vmem_shared>>, %arg18: memref<5136x8xf32, #tpu.memory_space<vmem_shared>>, %arg19: memref<!tpu.dma_semaphore, #tpu.memory_space<semaphore_mem>>, %arg20: memref<!tpu.dma_semaphore, #tpu.memory_space<semaphore_mem>>, %arg21: memref<!tpu.dma_semaphore, #tpu.memory_space<semaphore_mem>>, %arg22: memref<!tpu.dma_semaphore, #tpu.memory_space<semaphore_mem>>) attributes {dimension_semantics = [#tpu.dimension_semantics<core_parallel>, #tpu.dimension_semantics<subcore_parallel>], iteration_bounds = array<i64: 2, 16>, scalar_prefetch = 0 : i64, scratch_operands = 13 : i64, tpu.core_type = #tpu.core_type<sc_vector_subcore>, window_params = [{transform_indices = #map}, {transform_indices = #map}, {transform_indices = #map}, {transform_indices = #map}, {transform_indices = #map}, {transform_indices = #map}, {transform_indices = #map1}, {transform_indices = #map1}]} {
    %mul3A = arith.constant 321 : i32
    %mul3A_0 = arith.muli %arg1, %mul3A : i32
    %mul3A_1 = arith.constant 5120 : i32
    %mul3A_2 = arith.muli %arg0, %mul3A_1 : i32
    "tpu.region"() ({
      %run_scoped3A = tpu.sem_alloc : memref<!tpu.dma_semaphore, #tpu.memory_space<semaphore_mem>>
      %dma_start3A = arith.constant 0 : i32
      %dma_start3A_100 = tpu.memref_slice %arg17[%mul3A_0, %dma_start3A] : memref<5136x128xf32, #tpu.memory_space<vmem_shared>> -> memref<321x128xf32, #tpu.memory_space<vmem_shared>>
      tpu.enqueue_dma source(%arg5 : memref<321x128xf32, #tpu.memory_space<hbm>>) target(%dma_start3A_100 : memref<321x128xf32, #tpu.memory_space<vmem_shared>>) target_semaphore(%run_scoped3A : memref<!tpu.dma_semaphore, #tpu.memory_space<semaphore_mem>>)
      %dma_wait3A = arith.constant 0 : i32
      %dma_wait3A_101 = tpu.memref_slice %arg17[%mul3A_0, %dma_wait3A] : memref<5136x128xf32, #tpu.memory_space<vmem_shared>> -> memref<321x128xf32, #tpu.memory_space<vmem_shared>>
      tpu.wait_dma2 semaphore(%run_scoped3A : memref<!tpu.dma_semaphore, #tpu.memory_space<semaphore_mem>>) src(%arg5 : memref<321x128xf32, #tpu.memory_space<hbm>>) dst(%dma_wait3A_101 : memref<321x128xf32, #tpu.memory_space<vmem_shared>>)
      tpu.yield
    }) : () -> ()
    "tpu.region"() ({
      %run_scoped3A = tpu.sem_alloc : memref<!tpu.dma_semaphore, #tpu.memory_space<semaphore_mem>>
      %dma_start3A = arith.constant 0 : i32
      %dma_start3A_100 = tpu.memref_slice %arg18[%mul3A_0, %dma_start3A] : memref<5136x8xf32, #tpu.memory_space<vmem_shared>> -> memref<321x8xf32, #tpu.memory_space<vmem_shared>>
      tpu.enqueue_dma source(%arg6 : memref<321x8xf32, #tpu.memory_space<hbm>>) target(%dma_start3A_100 : memref<321x8xf32, #tpu.memory_space<vmem_shared>>) target_semaphore(%run_scoped3A : memref<!tpu.dma_semaphore, #tpu.memory_space<semaphore_mem>>)
      %dma_wait3A = arith.constant 0 : i32
      %dma_wait3A_101 = tpu.memref_slice %arg18[%mul3A_0, %dma_wait3A] : memref<5136x8xf32, #tpu.memory_space<vmem_shared>> -> memref<321x8xf32, #tpu.memory_space<vmem_shared>>
      tpu.wait_dma2 semaphore(%run_scoped3A : memref<!tpu.dma_semaphore, #tpu.memory_space<semaphore_mem>>) src(%arg6 : memref<321x8xf32, #tpu.memory_space<hbm>>) dst(%dma_wait3A_101 : memref<321x8xf32, #tpu.memory_space<vmem_shared>>)
      tpu.yield
    }) : () -> ()
    "tpu.region"() ({
      %run_scoped3A = tpu.sem_alloc : memref<!tpu.dma_semaphore, #tpu.memory_space<semaphore_mem>>
      tpu.enqueue_dma source(%arg7 : memref<64x8xf32, #tpu.memory_space<hbm>>) target(%arg16 : memref<64x8xf32, #tpu.memory_space<vmem>>) target_semaphore(%run_scoped3A : memref<!tpu.dma_semaphore, #tpu.memory_space<semaphore_mem>>)
      tpu.wait_dma2 semaphore(%run_scoped3A : memref<!tpu.dma_semaphore, #tpu.memory_space<semaphore_mem>>) src(%arg7 : memref<64x8xf32, #tpu.memory_space<hbm>>) dst(%arg16 : memref<64x8xf32, #tpu.memory_space<vmem>>)
      tpu.yield
    }) : () -> ()
    "tpu.region"() ({
      %run_scoped3A = tpu.sem_alloc : memref<!tpu.dma_semaphore, #tpu.memory_space<semaphore_mem>>
      %dma_start3A = arith.constant 0 : i32
      %dma_start3A_100 = tpu.memref_slice %arg10[%dma_start3A] : memref<20544xi32, #tpu.memory_space<vmem>> -> memref<20480xi32, #tpu.memory_space<vmem>>
      %dma_start3A_101 = arith.constant 0 : i32
      %dma_start3A_102 = tpu.memref_slice %arg3[%arg1, %dma_start3A_101] : memref<16x20480xi32, #tpu.memory_space<hbm>> -> memref<1x20480xi32, #tpu.memory_space<hbm>>
      %dma_start3A_103 = tpu.memref_squeeze %dma_start3A_102 : memref<1x20480xi32, #tpu.memory_space<hbm>> -> memref<20480xi32, #tpu.memory_space<hbm>>
      %dma_start3A_104 = arith.constant 0 : i32
      %dma_start3A_105 = tpu.memref_slice %arg10[%dma_start3A_104] : memref<20544xi32, #tpu.memory_space<vmem>> -> memref<20480xi32, #tpu.memory_space<vmem>>
      %dma_start3A_106 = arith.constant 0 : i32
      %dma_start3A_107 = tpu.memref_slice %arg3[%arg1, %dma_start3A_106] : memref<16x20480xi32, #tpu.memory_space<hbm>> -> memref<1x20480xi32, #tpu.memory_space<hbm>>
      %dma_start3A_108 = tpu.memref_squeeze %dma_start3A_107 : memref<1x20480xi32, #tpu.memory_space<hbm>> -> memref<20480xi32, #tpu.memory_space<hbm>>
      tpu.enqueue_dma source(%dma_start3A_108 : memref<20480xi32, #tpu.memory_space<hbm>>) target(%dma_start3A_105 : memref<20480xi32, #tpu.memory_space<vmem>>) target_semaphore(%run_scoped3A : memref<!tpu.dma_semaphore, #tpu.memory_space<semaphore_mem>>)
      %dma_wait3A = arith.constant 0 : i32
      %dma_wait3A_109 = tpu.memref_slice %arg10[%dma_wait3A] : memref<20544xi32, #tpu.memory_space<vmem>> -> memref<20480xi32, #tpu.memory_space<vmem>>
      %dma_wait3A_110 = arith.constant 0 : i32
      %dma_wait3A_111 = tpu.memref_slice %arg3[%arg1, %dma_wait3A_110] : memref<16x20480xi32, #tpu.memory_space<hbm>> -> memref<1x20480xi32, #tpu.memory_space<hbm>>
      %dma_wait3A_112 = tpu.memref_squeeze %dma_wait3A_111 : memref<1x20480xi32, #tpu.memory_space<hbm>> -> memref<20480xi32, #tpu.memory_space<hbm>>
      %dma_wait3A_113 = arith.constant 0 : i32
      %dma_wait3A_114 = tpu.memref_slice %arg10[%dma_wait3A_113] : memref<20544xi32, #tpu.memory_space<vmem>> -> memref<20480xi32, #tpu.memory_space<vmem>>
      %dma_wait3A_115 = arith.constant 0 : i32
      %dma_wait3A_116 = tpu.memref_slice %arg3[%arg1, %dma_wait3A_115] : memref<16x20480xi32, #tpu.memory_space<hbm>> -> memref<1x20480xi32, #tpu.memory_space<hbm>>
      %dma_wait3A_117 = tpu.memref_squeeze %dma_wait3A_116 : memref<1x20480xi32, #tpu.memory_space<hbm>> -> memref<20480xi32, #tpu.memory_space<hbm>>
      tpu.wait_dma2 semaphore(%run_scoped3A : memref<!tpu.dma_semaphore, #tpu.memory_space<semaphore_mem>>) src(%dma_wait3A_117 : memref<20480xi32, #tpu.memory_space<hbm>>) dst(%dma_wait3A_114 : memref<20480xi32, #tpu.memory_space<vmem>>)
      tpu.yield
    }) : () -> ()
    "tpu.region"() ({
      %run_scoped3A = tpu.sem_alloc : memref<!tpu.dma_semaphore, #tpu.memory_space<semaphore_mem>>
      %dma_start3A = arith.constant 0 : i32
      %dma_start3A_100 = tpu.memref_slice %arg11[%dma_start3A] : memref<20544xi32, #tpu.memory_space<vmem>> -> memref<20480xi32, #tpu.memory_space<vmem>>
      %dma_start3A_101 = arith.constant 0 : i32
      %dma_start3A_102 = tpu.memref_slice %arg4[%arg1, %dma_start3A_101] : memref<16x20480xi32, #tpu.memory_space<hbm>> -> memref<1x20480xi32, #tpu.memory_space<hbm>>
      %dma_start3A_103 = tpu.memref_squeeze %dma_start3A_102 : memref<1x20480xi32, #tpu.memory_space<hbm>> -> memref<20480xi32, #tpu.memory_space<hbm>>
      %dma_start3A_104 = arith.constant 0 : i32
      %dma_start3A_105 = tpu.memref_slice %arg11[%dma_start3A_104] : memref<20544xi32, #tpu.memory_space<vmem>> -> memref<20480xi32, #tpu.memory_space<vmem>>
      %dma_start3A_106 = arith.constant 0 : i32
      %dma_start3A_107 = tpu.memref_slice %arg4[%arg1, %dma_start3A_106] : memref<16x20480xi32, #tpu.memory_space<hbm>> -> memref<1x20480xi32, #tpu.memory_space<hbm>>
      %dma_start3A_108 = tpu.memref_squeeze %dma_start3A_107 : memref<1x20480xi32, #tpu.memory_space<hbm>> -> memref<20480xi32, #tpu.memory_space<hbm>>
      tpu.enqueue_dma source(%dma_start3A_108 : memref<20480xi32, #tpu.memory_space<hbm>>) target(%dma_start3A_105 : memref<20480xi32, #tpu.memory_space<vmem>>) target_semaphore(%run_scoped3A : memref<!tpu.dma_semaphore, #tpu.memory_space<semaphore_mem>>)
      %dma_wait3A = arith.constant 0 : i32
      %dma_wait3A_109 = tpu.memref_slice %arg11[%dma_wait3A] : memref<20544xi32, #tpu.memory_space<vmem>> -> memref<20480xi32, #tpu.memory_space<vmem>>
      %dma_wait3A_110 = arith.constant 0 : i32
      %dma_wait3A_111 = tpu.memref_slice %arg4[%arg1, %dma_wait3A_110] : memref<16x20480xi32, #tpu.memory_space<hbm>> -> memref<1x20480xi32, #tpu.memory_space<hbm>>
      %dma_wait3A_112 = tpu.memref_squeeze %dma_wait3A_111 : memref<1x20480xi32, #tpu.memory_space<hbm>> -> memref<20480xi32, #tpu.memory_space<hbm>>
      %dma_wait3A_113 = arith.constant 0 : i32
      %dma_wait3A_114 = tpu.memref_slice %arg11[%dma_wait3A_113] : memref<20544xi32, #tpu.memory_space<vmem>> -> memref<20480xi32, #tpu.memory_space<vmem>>
      %dma_wait3A_115 = arith.constant 0 : i32
      %dma_wait3A_116 = tpu.memref_slice %arg4[%arg1, %dma_wait3A_115] : memref<16x20480xi32, #tpu.memory_space<hbm>> -> memref<1x20480xi32, #tpu.memory_space<hbm>>
      %dma_wait3A_117 = tpu.memref_squeeze %dma_wait3A_116 : memref<1x20480xi32, #tpu.memory_space<hbm>> -> memref<20480xi32, #tpu.memory_space<hbm>>
      tpu.wait_dma2 semaphore(%run_scoped3A : memref<!tpu.dma_semaphore, #tpu.memory_space<semaphore_mem>>) src(%dma_wait3A_117 : memref<20480xi32, #tpu.memory_space<hbm>>) dst(%dma_wait3A_114 : memref<20480xi32, #tpu.memory_space<vmem>>)
      tpu.yield
    }) : () -> ()
    %while3A = arith.constant 0 : i32
    %while3A_3 = arith.constant 1280 : i32
    %while3A_4 = arith.constant 0 : i32
    %while3A_5 = arith.subi %while3A_3, %while3A : i32
    %while3A_6 = arith.addi %while3A, %while3A_5 : i32
    %while3A_7 = arith.constant 1 : i32
    %while3A_8 = arith.divsi %while3A_5, %while3A_7 : i32
    %while3A_9 = arith.muli %while3A_8, %while3A_7 : i32
    %while3A_10 = arith.addi %while3A, %while3A_9 : i32
    %while3A_11 = arith.constant 1 : i32
    %while3A_12 = scf.for %while3A_100 = %while3A to %while3A_10 step %while3A_11 iter_args(%while3A_101 = %while3A_4) -> (i32)  : i32 {
      %mul3A_102 = arith.constant 16 : i32
      %mul3A_103 = arith.muli %while3A_100, %mul3A_102 : i32
      %get3A = arith.index_cast %mul3A_103 : i32 to index
      %get3A_104 = tpu.vector_load %arg10[%get3A] {strides = array<i32>} : memref<20544xi32, #tpu.memory_space<vmem>>, vector<16xi32>,
      %sub3A_105 = vector.broadcast %mul3A_2 : i32 to vector<16xi32>
      %sub3A_106 = arith.subi %get3A_104, %sub3A_105 : vector<16xi32>
      %get3A_107 = arith.index_cast %mul3A_103 : i32 to index
      %get3A_108 = tpu.vector_load %arg11[%get3A_107] {strides = array<i32>} : memref<20544xi32, #tpu.memory_space<vmem>>, vector<16xi32>,
      %ge3A = arith.constant 0 : i32
      %ge3A_109 = vector.broadcast %ge3A : i32 to vector<16xi32>
      %ge3A_110 = arith.cmpi sge, %sub3A_106, %ge3A_109 : vector<16xi32>
      %lt3A_111 = arith.constant 5120 : i32
      %lt3A_112 = vector.broadcast %lt3A_111 : i32 to vector<16xi32>
      %lt3A_113 = arith.cmpi slt, %sub3A_106, %lt3A_112 : vector<16xi32>
      %and3A_114 = arith.andi %ge3A_110, %lt3A_113 : vector<16xi1>
      %convert_element_type3A_115 = arith.extui %and3A_114 : vector<16xi1> to vector<16xi32>
      %broadcast_in_dim3A_116 = arith.constant true
      %broadcast_in_dim3A_117 = vector.broadcast %broadcast_in_dim3A_116 : i1 to vector<16xi1>
      %masked_cumsum3A = tpu.scan <sum>, %convert_element_type3A_115 masked %broadcast_in_dim3A_117 : vector<16xi32>, vector<16xi1> -> vector<16xi32>
      %add3A_118 = vector.broadcast %while3A_101 : i32 to vector<16xi32>
      %add3A_119 = arith.addi %add3A_118, %masked_cumsum3A : vector<16xi32>
      %sub3A_120 = arith.constant 1 : i32
      %sub3A_121 = vector.broadcast %sub3A_120 : i32 to vector<16xi32>
      %sub3A_122 = arith.subi %add3A_119, %sub3A_121 : vector<16xi32>
      tpu.vector_store_idx %arg10[%sub3A_122], %sub3A_106 masked %and3A_114 : memref<20544xi32, #tpu.memory_space<vmem>>[vector<16xi32>], vector<16xi32>, vector<16xi1>
      tpu.vector_store_idx %arg11[%sub3A_122], %get3A_108 masked %and3A_114 : memref<20544xi32, #tpu.memory_space<vmem>>[vector<16xi32>], vector<16xi32>, vector<16xi1>
      %all_reduce_population_count3A = tpu.all_reduce %and3A_114 {dim = 0 : i64, kind = #tpu.reduction_kind<sum>} : vector<16xi1> -> vector<16xi32>
      %slice3A = vector.extract_strided_slice %all_reduce_population_count3A {offsets = [0], sizes = [1], strides = [1]} : vector<16xi32> to vector<1xi32>
      %squeeze3A = vector.extract %slice3A[0] : i32 from vector<1xi32>
      %add3A_123 = arith.addi %while3A_101, %squeeze3A : i32
      scf.yield %add3A_123 : i32
    }
    %while3A_13 = arith.constant 1 : i32
    %while3A_14 = scf.for %while3A_100 = %while3A_10 to %while3A_6 step %while3A_13 iter_args(%while3A_101 = %while3A_12) -> (i32)  : i32 {
      %mul3A_102 = arith.constant 16 : i32
      %mul3A_103 = arith.muli %while3A_100, %mul3A_102 : i32
      %get3A = arith.index_cast %mul3A_103 : i32 to index
      %get3A_104 = tpu.vector_load %arg10[%get3A] {strides = array<i32>} : memref<20544xi32, #tpu.memory_space<vmem>>, vector<16xi32>,
      %sub3A_105 = vector.broadcast %mul3A_2 : i32 to vector<16xi32>
      %sub3A_106 = arith.subi %get3A_104, %sub3A_105 : vector<16xi32>
      %get3A_107 = arith.index_cast %mul3A_103 : i32 to index
      %get3A_108 = tpu.vector_load %arg11[%get3A_107] {strides = array<i32>} : memref<20544xi32, #tpu.memory_space<vmem>>, vector<16xi32>,
      %ge3A = arith.constant 0 : i32
      %ge3A_109 = vector.broadcast %ge3A : i32 to vector<16xi32>
      %ge3A_110 = arith.cmpi sge, %sub3A_106, %ge3A_109 : vector<16xi32>
      %lt3A_111 = arith.constant 5120 : i32
      %lt3A_112 = vector.broadcast %lt3A_111 : i32 to vector<16xi32>
      %lt3A_113 = arith.cmpi slt, %sub3A_106, %lt3A_112 : vector<16xi32>
      %and3A_114 = arith.andi %ge3A_110, %lt3A_113 : vector<16xi1>
      %convert_element_type3A_115 = arith.extui %and3A_114 : vector<16xi1> to vector<16xi32>
      %broadcast_in_dim3A_116 = arith.constant true
      %broadcast_in_dim3A_117 = vector.broadcast %broadcast_in_dim3A_116 : i1 to vector<16xi1>
      %masked_cumsum3A = tpu.scan <sum>, %convert_element_type3A_115 masked %broadcast_in_dim3A_117 : vector<16xi32>, vector<16xi1> -> vector<16xi32>
      %add3A_118 = vector.broadcast %while3A_101 : i32 to vector<16xi32>
      %add3A_119 = arith.addi %add3A_118, %masked_cumsum3A : vector<16xi32>
      %sub3A_120 = arith.constant 1 : i32
      %sub3A_121 = vector.broadcast %sub3A_120 : i32 to vector<16xi32>
      %sub3A_122 = arith.subi %add3A_119, %sub3A_121 : vector<16xi32>
      tpu.vector_store_idx %arg10[%sub3A_122], %sub3A_106 masked %and3A_114 : memref<20544xi32, #tpu.memory_space<vmem>>[vector<16xi32>], vector<16xi32>, vector<16xi1>
      tpu.vector_store_idx %arg11[%sub3A_122], %get3A_108 masked %and3A_114 : memref<20544xi32, #tpu.memory_space<vmem>>[vector<16xi32>], vector<16xi32>, vector<16xi1>
      %all_reduce_population_count3A = tpu.all_reduce %and3A_114 {dim = 0 : i64, kind = #tpu.reduction_kind<sum>} : vector<16xi1> -> vector<16xi32>
      %slice3A = vector.extract_strided_slice %all_reduce_population_count3A {offsets = [0], sizes = [1], strides = [1]} : vector<16xi32> to vector<1xi32>
      %squeeze3A = vector.extract %slice3A[0] : i32 from vector<1xi32>
      %add3A_123 = arith.addi %while3A_101, %squeeze3A : i32
      scf.yield %add3A_123 : i32
    }
    %add3A = arith.constant 63 : i32
    %add3A_15 = arith.addi %while3A_14, %add3A : i32
    %jit3A = arith.constant 64 : i64
    %convert_element_type3A = arith.trunci %jit3A : i64 to i32
    %div3A = arith.divsi %add3A_15, %convert_element_type3A : i32
    %sign3A = arith.constant 0 : i32
    %sign3A_16 = arith.cmpi sgt, %add3A_15, %sign3A : i32
    %sign3A_17 = arith.extui %sign3A_16 : i1 to i32
    %sign3A_18 = arith.constant 0 : i32
    %sign3A_19 = arith.cmpi slt, %add3A_15, %sign3A_18 : i32
    %sign3A_20 = arith.extui %sign3A_19 : i1 to i32
    %sign3A_21 = arith.subi %sign3A_17, %sign3A_20 : i32
    %sign3A_22 = arith.constant 0 : i32
    %sign3A_23 = arith.cmpi sgt, %convert_element_type3A, %sign3A_22 : i32
    %sign3A_24 = arith.extui %sign3A_23 : i1 to i32
    %sign3A_25 = arith.constant 0 : i32
    %sign3A_26 = arith.cmpi slt, %convert_element_type3A, %sign3A_25 : i32
    %sign3A_27 = arith.extui %sign3A_26 : i1 to i32
    %sign3A_28 = arith.subi %sign3A_24, %sign3A_27 : i32
    %ne3A = arith.cmpi ne, %sign3A_21, %sign3A_28 : i32
    %rem3A = arith.remsi %add3A_15, %convert_element_type3A : i32
    %ne3A_29 = arith.constant 0 : i32
    %ne3A_30 = arith.cmpi ne, %rem3A, %ne3A_29 : i32
    %and3A = arith.andi %ne3A, %ne3A_30 : i1
    %sub3A = arith.constant 1 : i32
    %sub3A_31 = arith.subi %div3A, %sub3A : i32
    %select_n3A = arith.select %and3A, %sub3A_31, %div3A : i32
    %mul3A_32 = arith.constant 64 : i32
    %mul3A_33 = arith.muli %select_n3A, %mul3A_32 : i32
    %sub3A_34 = arith.subi %mul3A_33, %while3A_14 : i32
    %broadcast_in_dim3A = arith.constant 5120 : i32
    %broadcast_in_dim3A_35 = vector.broadcast %broadcast_in_dim3A : i32 to vector<16xi32>
    %broadcast_in_dim3A_36 = arith.constant 0 : i32
    %broadcast_in_dim3A_37 = vector.broadcast %broadcast_in_dim3A_36 : i32 to vector<16xi32>
    %add3A_38 = arith.constant 15 : i32
    %add3A_39 = arith.addi %sub3A_34, %add3A_38 : i32
    %jit3A_40 = arith.constant 16 : i64
    %convert_element_type3A_41 = arith.trunci %jit3A_40 : i64 to i32
    %div3A_42 = arith.divsi %add3A_39, %convert_element_type3A_41 : i32
    %sign3A_43 = arith.constant 0 : i32
    %sign3A_44 = arith.cmpi sgt, %add3A_39, %sign3A_43 : i32
    %sign3A_45 = arith.extui %sign3A_44 : i1 to i32
    %sign3A_46 = arith.constant 0 : i32
    %sign3A_47 = arith.cmpi slt, %add3A_39, %sign3A_46 : i32
    %sign3A_48 = arith.extui %sign3A_47 : i1 to i32
    %sign3A_49 = arith.subi %sign3A_45, %sign3A_48 : i32
    %sign3A_50 = arith.constant 0 : i32
    %sign3A_51 = arith.cmpi sgt, %convert_element_type3A_41, %sign3A_50 : i32
    %sign3A_52 = arith.extui %sign3A_51 : i1 to i32
    %sign3A_53 = arith.constant 0 : i32
    %sign3A_54 = arith.cmpi slt, %convert_element_type3A_41, %sign3A_53 : i32
    %sign3A_55 = arith.extui %sign3A_54 : i1 to i32
    %sign3A_56 = arith.subi %sign3A_52, %sign3A_55 : i32
    %ne3A_57 = arith.cmpi ne, %sign3A_49, %sign3A_56 : i32
    %rem3A_58 = arith.remsi %add3A_39, %convert_element_type3A_41 : i32
    %ne3A_59 = arith.constant 0 : i32
    %ne3A_60 = arith.cmpi ne, %rem3A_58, %ne3A_59 : i32
    %and3A_61 = arith.andi %ne3A_57, %ne3A_60 : i1
    %sub3A_62 = arith.constant 1 : i32
    %sub3A_63 = arith.subi %div3A_42, %sub3A_62 : i32
    %select_n3A_64 = arith.select %and3A_61, %sub3A_63, %div3A_42 : i32
    %while3A_65 = arith.constant 0 : i32
    %while3A_66 = arith.subi %select_n3A_64, %while3A_65 : i32
    %while3A_67 = arith.addi %while3A_65, %while3A_66 : i32
    %while3A_68 = arith.constant 1 : i32
    %while3A_69 = arith.divsi %while3A_66, %while3A_68 : i32
    %while3A_70 = arith.muli %while3A_69, %while3A_68 : i32
    %while3A_71 = arith.addi %while3A_65, %while3A_70 : i32
    %while3A_72 = arith.constant 1 : i32
    %while3A_73 = scf.for %while3A_100 = %while3A_65 to %while3A_71 step %while3A_72 iter_args(%while3A_101 = %while3A_14) -> (i32)  : i32 {
      %swap3A = arith.index_cast %while3A_101 : i32 to index
      %swap3A_102 = tpu.vector_load %arg10[%swap3A] {strides = array<i32>} : memref<20544xi32, #tpu.memory_space<vmem>>, vector<16xi32>,
      tpu.vector_store %arg10[%swap3A], %broadcast_in_dim3A_35 {strides = array<i32>} : memref<20544xi32, #tpu.memory_space<vmem>>, vector<16xi32>,
      %swap3A_103 = arith.index_cast %while3A_101 : i32 to index
      %swap3A_104 = tpu.vector_load %arg11[%swap3A_103] {strides = array<i32>} : memref<20544xi32, #tpu.memory_space<vmem>>, vector<16xi32>,
      tpu.vector_store %arg11[%swap3A_103], %broadcast_in_dim3A_37 {strides = array<i32>} : memref<20544xi32, #tpu.memory_space<vmem>>, vector<16xi32>,
      %add3A_105 = arith.constant 16 : i32
      %add3A_106 = arith.addi %while3A_101, %add3A_105 : i32
      scf.yield %add3A_106 : i32
    }
    %while3A_74 = arith.constant 1 : i32
    %while3A_75 = scf.for %while3A_100 = %while3A_71 to %while3A_67 step %while3A_74 iter_args(%while3A_101 = %while3A_73) -> (i32)  : i32 {
      %swap3A = arith.index_cast %while3A_101 : i32 to index
      %swap3A_102 = tpu.vector_load %arg10[%swap3A] {strides = array<i32>} : memref<20544xi32, #tpu.memory_space<vmem>>, vector<16xi32>,
      tpu.vector_store %arg10[%swap3A], %broadcast_in_dim3A_35 {strides = array<i32>} : memref<20544xi32, #tpu.memory_space<vmem>>, vector<16xi32>,
      %swap3A_103 = arith.index_cast %while3A_101 : i32 to index
      %swap3A_104 = tpu.vector_load %arg11[%swap3A_103] {strides = array<i32>} : memref<20544xi32, #tpu.memory_space<vmem>>, vector<16xi32>,
      tpu.vector_store %arg11[%swap3A_103], %broadcast_in_dim3A_37 {strides = array<i32>} : memref<20544xi32, #tpu.memory_space<vmem>>, vector<16xi32>,
      %add3A_105 = arith.constant 16 : i32
      %add3A_106 = arith.addi %while3A_101, %add3A_105 : i32
      scf.yield %add3A_106 : i32
    }
    %barrier3A = arith.constant 0 : index
    tpu.barrier barrier_id(%barrier3A)
    %lt3A = arith.constant 0 : i32
    %lt3A_76 = arith.cmpi slt, %lt3A, %select_n3A : i32
    %convert_element_type3A_77 = arith.extui %lt3A_76 : i1 to i32
    %cond3A = arith.constant 0 : i32
    %cond3A_78 = arith.cmpi ne, %convert_element_type3A_77, %cond3A : i32
    scf.if %cond3A_78 {
      %dma_start3A = arith.constant 0 : i32
      %dma_start3A_100 = tpu.memref_slice %arg11[%dma_start3A] : memref<20544xi32, #tpu.memory_space<vmem>> -> memref<64xi32, #tpu.memory_space<vmem>>
      %dma_start3A_101 = arith.constant 0 : i32
      %dma_start3A_102 = arith.constant 0 : i32
      %dma_start3A_103 = tpu.memref_slice %arg2[%dma_start3A_101, %dma_start3A_102] : memref<10000x128xf32, #tpu.memory_space<hbm>> -> memref<10000x128xf32, #tpu.memory_space<hbm>>
      tpu.enqueue_indirect_dma source(%dma_start3A_103 : memref<10000x128xf32, #tpu.memory_space<hbm>>) target(%arg12 : memref<64x128xf32, #tpu.memory_space<vmem>>) offsets(%dma_start3A_100 : memref<64xi32, #tpu.memory_space<vmem>>) semaphore(%arg19 : memref<!tpu.dma_semaphore, #tpu.memory_space<semaphore_mem>>)
    } else {
    }
    %lt3A_79 = arith.constant 1 : i32
    %lt3A_80 = arith.cmpi slt, %lt3A_79, %select_n3A : i32
    %convert_element_type3A_81 = arith.extui %lt3A_80 : i1 to i32
    %cond3A_82 = arith.constant 0 : i32
    %cond3A_83 = arith.cmpi ne, %convert_element_type3A_81, %cond3A_82 : i32
    scf.if %cond3A_83 {
      %dma_start3A = arith.constant 64 : i32
      %dma_start3A_100 = tpu.memref_slice %arg11[%dma_start3A] : memref<20544xi32, #tpu.memory_space<vmem>> -> memref<64xi32, #tpu.memory_space<vmem>>
      %dma_start3A_101 = arith.constant 0 : i32
      %dma_start3A_102 = arith.constant 0 : i32
      %dma_start3A_103 = tpu.memref_slice %arg2[%dma_start3A_101, %dma_start3A_102] : memref<10000x128xf32, #tpu.memory_space<hbm>> -> memref<10000x128xf32, #tpu.memory_space<hbm>>
      tpu.enqueue_indirect_dma source(%dma_start3A_103 : memref<10000x128xf32, #tpu.memory_space<hbm>>) target(%arg13 : memref<64x128xf32, #tpu.memory_space<vmem>>) offsets(%dma_start3A_100 : memref<64xi32, #tpu.memory_space<vmem>>) semaphore(%arg20 : memref<!tpu.dma_semaphore, #tpu.memory_space<semaphore_mem>>)
    } else {
    }
    %lt3A_84 = arith.constant 2 : i32
    %lt3A_85 = arith.cmpi slt, %lt3A_84, %select_n3A : i32
    %convert_element_type3A_86 = arith.extui %lt3A_85 : i1 to i32
    %cond3A_87 = arith.constant 0 : i32
    %cond3A_88 = arith.cmpi ne, %convert_element_type3A_86, %cond3A_87 : i32
    scf.if %cond3A_88 {
      %dma_start3A = arith.constant 128 : i32
      %dma_start3A_100 = tpu.memref_slice %arg11[%dma_start3A] : memref<20544xi32, #tpu.memory_space<vmem>> -> memref<64xi32, #tpu.memory_space<vmem>>
      %dma_start3A_101 = arith.constant 0 : i32
      %dma_start3A_102 = arith.constant 0 : i32
      %dma_start3A_103 = tpu.memref_slice %arg2[%dma_start3A_101, %dma_start3A_102] : memref<10000x128xf32, #tpu.memory_space<hbm>> -> memref<10000x128xf32, #tpu.memory_space<hbm>>
      tpu.enqueue_indirect_dma source(%dma_start3A_103 : memref<10000x128xf32, #tpu.memory_space<hbm>>) target(%arg14 : memref<64x128xf32, #tpu.memory_space<vmem>>) offsets(%dma_start3A_100 : memref<64xi32, #tpu.memory_space<vmem>>) semaphore(%arg21 : memref<!tpu.dma_semaphore, #tpu.memory_space<semaphore_mem>>)
    } else {
    }
    %while3A_89 = arith.constant 0 : i32
    %while3A_90 = arith.constant 0 : i32
    %while3A_91 = arith.subi %select_n3A, %while3A_90 : i32
    %while3A_92 = arith.addi %while3A_90, %while3A_91 : i32
    %while3A_93 = arith.constant 1 : i32
    %while3A_94 = arith.divsi %while3A_91, %while3A_93 : i32
    %while3A_95 = arith.muli %while3A_94, %while3A_93 : i32
    %while3A_96 = arith.addi %while3A_90, %while3A_95 : i32
    %while3A_97 = arith.constant 1 : i32
    scf.for %while3A_100 = %while3A_90 to %while3A_96 step %while3A_97  : i32 {
      %rem3A_101 = arith.constant 4 : i32
      %rem3A_102 = arith.remsi %while3A_100, %rem3A_101 : i32
      %eq3A = arith.constant 0 : i32
      %eq3A_103 = arith.cmpi eq, %rem3A_102, %eq3A : i32
      %convert_element_type3A_104 = arith.extui %eq3A_103 : i1 to i32
      %cond3A_105 = arith.constant 0 : i32
      %cond3A_106 = arith.cmpi ne, %convert_element_type3A_104, %cond3A_105 : i32
      scf.if %cond3A_106 {
        %mul3A_128 = arith.constant 64 : i32
        %mul3A_129 = arith.muli %while3A_100, %mul3A_128 : i32
        %dma_wait3A = tpu.memref_slice %arg11[%mul3A_129] : memref<20544xi32, #tpu.memory_space<vmem>> -> memref<64xi32, #tpu.memory_space<vmem>>
        %dma_wait3A_130 = arith.constant 0 : i32
        %dma_wait3A_131 = arith.constant 0 : i32
        %dma_wait3A_132 = tpu.memref_slice %arg2[%dma_wait3A_130, %dma_wait3A_131] : memref<10000x128xf32, #tpu.memory_space<hbm>> -> memref<10000x128xf32, #tpu.memory_space<hbm>>
        tpu.wait_indirect_dma semaphore(%arg19 : memref<!tpu.dma_semaphore, #tpu.memory_space<semaphore_mem>>) src(%dma_wait3A_132 : memref<10000x128xf32, #tpu.memory_space<hbm>>) dst(%arg12 : memref<64x128xf32, #tpu.memory_space<vmem>>)
        %add3A_133 = arith.constant 3 : i32
        %add3A_134 = arith.addi %while3A_100, %add3A_133 : i32
        %lt3A_135 = arith.cmpi slt, %add3A_134, %select_n3A : i32
        %convert_element_type3A_136 = arith.extui %lt3A_135 : i1 to i32
        %cond3A_137 = arith.constant 0 : i32
        %cond3A_138 = arith.cmpi ne, %convert_element_type3A_136, %cond3A_137 : i32
        scf.if %cond3A_138 {
          %add3A_143 = arith.constant 3 : i32
          %add3A_144 = arith.addi %while3A_100, %add3A_143 : i32
          %mul3A_145 = arith.constant 64 : i32
          %mul3A_146 = arith.muli %add3A_144, %mul3A_145 : i32
          %dma_start3A = tpu.memref_slice %arg11[%mul3A_146] : memref<20544xi32, #tpu.memory_space<vmem>> -> memref<64xi32, #tpu.memory_space<vmem>>
          %dma_start3A_147 = arith.constant 0 : i32
          %dma_start3A_148 = arith.constant 0 : i32
          %dma_start3A_149 = tpu.memref_slice %arg2[%dma_start3A_147, %dma_start3A_148] : memref<10000x128xf32, #tpu.memory_space<hbm>> -> memref<10000x128xf32, #tpu.memory_space<hbm>>
          tpu.enqueue_indirect_dma source(%dma_start3A_149 : memref<10000x128xf32, #tpu.memory_space<hbm>>) target(%arg15 : memref<64x128xf32, #tpu.memory_space<vmem>>) offsets(%dma_start3A : memref<64xi32, #tpu.memory_space<vmem>>) semaphore(%arg22 : memref<!tpu.dma_semaphore, #tpu.memory_space<semaphore_mem>>)
        } else {
        }
        %mul3A_139 = arith.constant 64 : i32
        %mul3A_140 = arith.muli %while3A_100, %mul3A_139 : i32
        "tpu.region"() ({
          %run_scoped3A = tpu.sem_alloc : memref<!tpu.dma_semaphore, #tpu.memory_space<semaphore_mem>>
          %dma_start3A = tpu.memref_slice %arg10[%mul3A_140] : memref<20544xi32, #tpu.memory_space<vmem>> -> memref<64xi32, #tpu.memory_space<vmem>>
          %dma_start3A_143 = arith.constant 0 : i32
          %dma_start3A_144 = arith.constant 0 : i32
          %dma_start3A_145 = tpu.memref_slice %arg17[%dma_start3A_143, %dma_start3A_144] : memref<5136x128xf32, #tpu.memory_space<vmem_shared>> -> memref<5136x128xf32, #tpu.memory_space<vmem_shared>>
          tpu.enqueue_indirect_dma source(%arg12 : memref<64x128xf32, #tpu.memory_space<vmem>>) target(%dma_start3A_145 : memref<5136x128xf32, #tpu.memory_space<vmem_shared>>) offsets(%dma_start3A : memref<64xi32, #tpu.memory_space<vmem>>) semaphore(%run_scoped3A : memref<!tpu.dma_semaphore, #tpu.memory_space<semaphore_mem>>) {add = true}
          %dma_wait3A_146 = tpu.memref_slice %arg10[%mul3A_140] : memref<20544xi32, #tpu.memory_space<vmem>> -> memref<64xi32, #tpu.memory_space<vmem>>
          %dma_wait3A_147 = arith.constant 0 : i32
          %dma_wait3A_148 = arith.constant 0 : i32
          %dma_wait3A_149 = tpu.memref_slice %arg17[%dma_wait3A_147, %dma_wait3A_148] : memref<5136x128xf32, #tpu.memory_space<vmem_shared>> -> memref<5136x128xf32, #tpu.memory_space<vmem_shared>>
          tpu.wait_indirect_dma semaphore(%run_scoped3A : memref<!tpu.dma_semaphore, #tpu.memory_space<semaphore_mem>>) src(%arg12 : memref<64x128xf32, #tpu.memory_space<vmem>>) dst(%dma_wait3A_149 : memref<5136x128xf32, #tpu.memory_space<vmem_shared>>)
          tpu.yield
        }) : () -> ()
        %mul3A_141 = arith.constant 64 : i32
        %mul3A_142 = arith.muli %while3A_100, %mul3A_141 : i32
        "tpu.region"() ({
          %run_scoped3A = tpu.sem_alloc : memref<!tpu.dma_semaphore, #tpu.memory_space<semaphore_mem>>
          %dma_start3A = tpu.memref_slice %arg10[%mul3A_142] : memref<20544xi32, #tpu.memory_space<vmem>> -> memref<64xi32, #tpu.memory_space<vmem>>
          %dma_start3A_143 = arith.constant 0 : i32
          %dma_start3A_144 = arith.constant 0 : i32
          %dma_start3A_145 = tpu.memref_slice %arg18[%dma_start3A_143, %dma_start3A_144] : memref<5136x8xf32, #tpu.memory_space<vmem_shared>> -> memref<5136x8xf32, #tpu.memory_space<vmem_shared>>
          tpu.enqueue_indirect_dma source(%arg16 : memref<64x8xf32, #tpu.memory_space<vmem>>) target(%dma_start3A_145 : memref<5136x8xf32, #tpu.memory_space<vmem_shared>>) offsets(%dma_start3A : memref<64xi32, #tpu.memory_space<vmem>>) semaphore(%run_scoped3A : memref<!tpu.dma_semaphore, #tpu.memory_space<semaphore_mem>>) {add = true}
          %dma_wait3A_146 = tpu.memref_slice %arg10[%mul3A_142] : memref<20544xi32, #tpu.memory_space<vmem>> -> memref<64xi32, #tpu.memory_space<vmem>>
          %dma_wait3A_147 = arith.constant 0 : i32
          %dma_wait3A_148 = arith.constant 0 : i32
          %dma_wait3A_149 = tpu.memref_slice %arg18[%dma_wait3A_147, %dma_wait3A_148] : memref<5136x8xf32, #tpu.memory_space<vmem_shared>> -> memref<5136x8xf32, #tpu.memory_space<vmem_shared>>
          tpu.wait_indirect_dma semaphore(%run_scoped3A : memref<!tpu.dma_semaphore, #tpu.memory_space<semaphore_mem>>) src(%arg16 : memref<64x8xf32, #tpu.memory_space<vmem>>) dst(%dma_wait3A_149 : memref<5136x8xf32, #tpu.memory_space<vmem_shared>>)
          tpu.yield
        }) : () -> ()
      } else {
      }
      %rem3A_107 = arith.constant 4 : i32
      %rem3A_108 = arith.remsi %while3A_100, %rem3A_107 : i32
      %eq3A_109 = arith.constant 1 : i32
      %eq3A_110 = arith.cmpi eq, %rem3A_108, %eq3A_109 : i32
      %convert_element_type3A_111 = arith.extui %eq3A_110 : i1 to i32
      %cond3A_112 = arith.constant 0 : i32
      %cond3A_113 = arith.cmpi ne, %convert_element_type3A_111, %cond3A_112 : i32
      scf.if %cond3A_113 {
        %mul3A_128 = arith.constant 64 : i32
        %mul3A_129 = arith.muli %while3A_100, %mul3A_128 : i32
        %dma_wait3A = tpu.memref_slice %arg11[%mul3A_129] : memref<20544xi32, #tpu.memory_space<vmem>> -> memref<64xi32, #tpu.memory_space<vmem>>
        %dma_wait3A_130 = arith.constant 0 : i32
        %dma_wait3A_131 = arith.constant 0 : i32
        %dma_wait3A_132 = tpu.memref_slice %arg2[%dma_wait3A_130, %dma_wait3A_131] : memref<10000x128xf32, #tpu.memory_space<hbm>> -> memref<10000x128xf32, #tpu.memory_space<hbm>>
        tpu.wait_indirect_dma semaphore(%arg20 : memref<!tpu.dma_semaphore, #tpu.memory_space<semaphore_mem>>) src(%dma_wait3A_132 : memref<10000x128xf32, #tpu.memory_space<hbm>>) dst(%arg13 : memref<64x128xf32, #tpu.memory_space<vmem>>)
        %add3A_133 = arith.constant 3 : i32
        %add3A_134 = arith.addi %while3A_100, %add3A_133 : i32
        %lt3A_135 = arith.cmpi slt, %add3A_134, %select_n3A : i32
        %convert_element_type3A_136 = arith.extui %lt3A_135 : i1 to i32
        %cond3A_137 = arith.constant 0 : i32
        %cond3A_138 = arith.cmpi ne, %convert_element_type3A_136, %cond3A_137 : i32
        scf.if %cond3A_138 {
          %add3A_143 = arith.constant 3 : i32
          %add3A_144 = arith.addi %while3A_100, %add3A_143 : i32
          %mul3A_145 = arith.constant 64 : i32
          %mul3A_146 = arith.muli %add3A_144, %mul3A_145 : i32
          %dma_start3A = tpu.memref_slice %arg11[%mul3A_146] : memref<20544xi32, #tpu.memory_space<vmem>> -> memref<64xi32, #tpu.memory_space<vmem>>
          %dma_start3A_147 = arith.constant 0 : i32
          %dma_start3A_148 = arith.constant 0 : i32
          %dma_start3A_149 = tpu.memref_slice %arg2[%dma_start3A_147, %dma_start3A_148] : memref<10000x128xf32, #tpu.memory_space<hbm>> -> memref<10000x128xf32, #tpu.memory_space<hbm>>
          tpu.enqueue_indirect_dma source(%dma_start3A_149 : memref<10000x128xf32, #tpu.memory_space<hbm>>) target(%arg12 : memref<64x128xf32, #tpu.memory_space<vmem>>) offsets(%dma_start3A : memref<64xi32, #tpu.memory_space<vmem>>) semaphore(%arg19 : memref<!tpu.dma_semaphore, #tpu.memory_space<semaphore_mem>>)
        } else {
        }
        %mul3A_139 = arith.constant 64 : i32
        %mul3A_140 = arith.muli %while3A_100, %mul3A_139 : i32
        "tpu.region"() ({
          %run_scoped3A = tpu.sem_alloc : memref<!tpu.dma_semaphore, #tpu.memory_space<semaphore_mem>>
          %dma_start3A = tpu.memref_slice %arg10[%mul3A_140] : memref<20544xi32, #tpu.memory_space<vmem>> -> memref<64xi32, #tpu.memory_space<vmem>>
          %dma_start3A_143 = arith.constant 0 : i32
          %dma_start3A_144 = arith.constant 0 : i32
          %dma_start3A_145 = tpu.memref_slice %arg17[%dma_start3A_143, %dma_start3A_144] : memref<5136x128xf32, #tpu.memory_space<vmem_shared>> -> memref<5136x128xf32, #tpu.memory_space<vmem_shared>>
          tpu.enqueue_indirect_dma source(%arg13 : memref<64x128xf32, #tpu.memory_space<vmem>>) target(%dma_start3A_145 : memref<5136x128xf32, #tpu.memory_space<vmem_shared>>) offsets(%dma_start3A : memref<64xi32, #tpu.memory_space<vmem>>) semaphore(%run_scoped3A : memref<!tpu.dma_semaphore, #tpu.memory_space<semaphore_mem>>) {add = true}
          %dma_wait3A_146 = tpu.memref_slice %arg10[%mul3A_140] : memref<20544xi32, #tpu.memory_space<vmem>> -> memref<64xi32, #tpu.memory_space<vmem>>
          %dma_wait3A_147 = arith.constant 0 : i32
          %dma_wait3A_148 = arith.constant 0 : i32
          %dma_wait3A_149 = tpu.memref_slice %arg17[%dma_wait3A_147, %dma_wait3A_148] : memref<5136x128xf32, #tpu.memory_space<vmem_shared>> -> memref<5136x128xf32, #tpu.memory_space<vmem_shared>>
          tpu.wait_indirect_dma semaphore(%run_scoped3A : memref<!tpu.dma_semaphore, #tpu.memory_space<semaphore_mem>>) src(%arg13 : memref<64x128xf32, #tpu.memory_space<vmem>>) dst(%dma_wait3A_149 : memref<5136x128xf32, #tpu.memory_space<vmem_shared>>)
          tpu.yield
        }) : () -> ()
        %mul3A_141 = arith.constant 64 : i32
        %mul3A_142 = arith.muli %while3A_100, %mul3A_141 : i32
        "tpu.region"() ({
          %run_scoped3A = tpu.sem_alloc : memref<!tpu.dma_semaphore, #tpu.memory_space<semaphore_mem>>
          %dma_start3A = tpu.memref_slice %arg10[%mul3A_142] : memref<20544xi32, #tpu.memory_space<vmem>> -> memref<64xi32, #tpu.memory_space<vmem>>
          %dma_start3A_143 = arith.constant 0 : i32
          %dma_start3A_144 = arith.constant 0 : i32
          %dma_start3A_145 = tpu.memref_slice %arg18[%dma_start3A_143, %dma_start3A_144] : memref<5136x8xf32, #tpu.memory_space<vmem_shared>> -> memref<5136x8xf32, #tpu.memory_space<vmem_shared>>
          tpu.enqueue_indirect_dma source(%arg16 : memref<64x8xf32, #tpu.memory_space<vmem>>) target(%dma_start3A_145 : memref<5136x8xf32, #tpu.memory_space<vmem_shared>>) offsets(%dma_start3A : memref<64xi32, #tpu.memory_space<vmem>>) semaphore(%run_scoped3A : memref<!tpu.dma_semaphore, #tpu.memory_space<semaphore_mem>>) {add = true}
          %dma_wait3A_146 = tpu.memref_slice %arg10[%mul3A_142] : memref<20544xi32, #tpu.memory_space<vmem>> -> memref<64xi32, #tpu.memory_space<vmem>>
          %dma_wait3A_147 = arith.constant 0 : i32
          %dma_wait3A_148 = arith.constant 0 : i32
          %dma_wait3A_149 = tpu.memref_slice %arg18[%dma_wait3A_147, %dma_wait3A_148] : memref<5136x8xf32, #tpu.memory_space<vmem_shared>> -> memref<5136x8xf32, #tpu.memory_space<vmem_shared>>
          tpu.wait_indirect_dma semaphore(%run_scoped3A : memref<!tpu.dma_semaphore, #tpu.memory_space<semaphore_mem>>) src(%arg16 : memref<64x8xf32, #tpu.memory_space<vmem>>) dst(%dma_wait3A_149 : memref<5136x8xf32, #tpu.memory_space<vmem_shared>>)
          tpu.yield
        }) : () -> ()
      } else {
      }
      %rem3A_114 = arith.constant 4 : i32
      %rem3A_115 = arith.remsi %while3A_100, %rem3A_114 : i32
      %eq3A_116 = arith.constant 2 : i32
      %eq3A_117 = arith.cmpi eq, %rem3A_115, %eq3A_116 : i32
      %convert_element_type3A_118 = arith.extui %eq3A_117 : i1 to i32
      %cond3A_119 = arith.constant 0 : i32
      %cond3A_120 = arith.cmpi ne, %convert_element_type3A_118, %cond3A_119 : i32
      scf.if %cond3A_120 {
        %mul3A_128 = arith.constant 64 : i32
        %mul3A_129 = arith.muli %while3A_100, %mul3A_128 : i32
        %dma_wait3A = tpu.memref_slice %arg11[%mul3A_129] : memref<20544xi32, #tpu.memory_space<vmem>> -> memref<64xi32, #tpu.memory_space<vmem>>
        %dma_wait3A_130 = arith.constant 0 : i32
        %dma_wait3A_131 = arith.constant 0 : i32
        %dma_wait3A_132 = tpu.memref_slice %arg2[%dma_wait3A_130, %dma_wait3A_131] : memref<10000x128xf32, #tpu.memory_space<hbm>> -> memref<10000x128xf32, #tpu.memory_space<hbm>>
        tpu.wait_indirect_dma semaphore(%arg21 : memref<!tpu.dma_semaphore, #tpu.memory_space<semaphore_mem>>) src(%dma_wait3A_132 : memref<10000x128xf32, #tpu.memory_space<hbm>>) dst(%arg14 : memref<64x128xf32, #tpu.memory_space<vmem>>)
        %add3A_133 = arith.constant 3 : i32
        %add3A_134 = arith.addi %while3A_100, %add3A_133 : i32
        %lt3A_135 = arith.cmpi slt, %add3A_134, %select_n3A : i32
        %convert_element_type3A_136 = arith.extui %lt3A_135 : i1 to i32
        %cond3A_137 = arith.constant 0 : i32
        %cond3A_138 = arith.cmpi ne, %convert_element_type3A_136, %cond3A_137 : i32
        scf.if %cond3A_138 {
          %add3A_143 = arith.constant 3 : i32
          %add3A_144 = arith.addi %while3A_100, %add3A_143 : i32
          %mul3A_145 = arith.constant 64 : i32
          %mul3A_146 = arith.muli %add3A_144, %mul3A_145 : i32
          %dma_start3A = tpu.memref_slice %arg11[%mul3A_146] : memref<20544xi32, #tpu.memory_space<vmem>> -> memref<64xi32, #tpu.memory_space<vmem>>
          %dma_start3A_147 = arith.constant 0 : i32
          %dma_start3A_148 = arith.constant 0 : i32
          %dma_start3A_149 = tpu.memref_slice %arg2[%dma_start3A_147, %dma_start3A_148] : memref<10000x128xf32, #tpu.memory_space<hbm>> -> memref<10000x128xf32, #tpu.memory_space<hbm>>
          tpu.enqueue_indirect_dma source(%dma_start3A_149 : memref<10000x128xf32, #tpu.memory_space<hbm>>) target(%arg13 : memref<64x128xf32, #tpu.memory_space<vmem>>) offsets(%dma_start3A : memref<64xi32, #tpu.memory_space<vmem>>) semaphore(%arg20 : memref<!tpu.dma_semaphore, #tpu.memory_space<semaphore_mem>>)
        } else {
        }
        %mul3A_139 = arith.constant 64 : i32
        %mul3A_140 = arith.muli %while3A_100, %mul3A_139 : i32
        "tpu.region"() ({
          %run_scoped3A = tpu.sem_alloc : memref<!tpu.dma_semaphore, #tpu.memory_space<semaphore_mem>>
          %dma_start3A = tpu.memref_slice %arg10[%mul3A_140] : memref<20544xi32, #tpu.memory_space<vmem>> -> memref<64xi32, #tpu.memory_space<vmem>>
          %dma_start3A_143 = arith.constant 0 : i32
          %dma_start3A_144 = arith.constant 0 : i32
          %dma_start3A_145 = tpu.memref_slice %arg17[%dma_start3A_143, %dma_start3A_144] : memref<5136x128xf32, #tpu.memory_space<vmem_shared>> -> memref<5136x128xf32, #tpu.memory_space<vmem_shared>>
          tpu.enqueue_indirect_dma source(%arg14 : memref<64x128xf32, #tpu.memory_space<vmem>>) target(%dma_start3A_145 : memref<5136x128xf32, #tpu.memory_space<vmem_shared>>) offsets(%dma_start3A : memref<64xi32, #tpu.memory_space<vmem>>) semaphore(%run_scoped3A : memref<!tpu.dma_semaphore, #tpu.memory_space<semaphore_mem>>) {add = true}
          %dma_wait3A_146 = tpu.memref_slice %arg10[%mul3A_140] : memref<20544xi32, #tpu.memory_space<vmem>> -> memref<64xi32, #tpu.memory_space<vmem>>
          %dma_wait3A_147 = arith.constant 0 : i32
          %dma_wait3A_148 = arith.constant 0 : i32
          %dma_wait3A_149 = tpu.memref_slice %arg17[%dma_wait3A_147, %dma_wait3A_148] : memref<5136x128xf32, #tpu.memory_space<vmem_shared>> -> memref<5136x128xf32, #tpu.memory_space<vmem_shared>>
          tpu.wait_indirect_dma semaphore(%run_scoped3A : memref<!tpu.dma_semaphore, #tpu.memory_space<semaphore_mem>>) src(%arg14 : memref<64x128xf32, #tpu.memory_space<vmem>>) dst(%dma_wait3A_149 : memref<5136x128xf32, #tpu.memory_space<vmem_shared>>)
          tpu.yield
        }) : () -> ()
        %mul3A_141 = arith.constant 64 : i32
        %mul3A_142 = arith.muli %while3A_100, %mul3A_141 : i32
        "tpu.region"() ({
          %run_scoped3A = tpu.sem_alloc : memref<!tpu.dma_semaphore, #tpu.memory_space<semaphore_mem>>
          %dma_start3A = tpu.memref_slice %arg10[%mul3A_142] : memref<20544xi32, #tpu.memory_space<vmem>> -> memref<64xi32, #tpu.memory_space<vmem>>
          %dma_start3A_143 = arith.constant 0 : i32
          %dma_start3A_144 = arith.constant 0 : i32
          %dma_start3A_145 = tpu.memref_slice %arg18[%dma_start3A_143, %dma_start3A_144] : memref<5136x8xf32, #tpu.memory_space<vmem_shared>> -> memref<5136x8xf32, #tpu.memory_space<vmem_shared>>
          tpu.enqueue_indirect_dma source(%arg16 : memref<64x8xf32, #tpu.memory_space<vmem>>) target(%dma_start3A_145 : memref<5136x8xf32, #tpu.memory_space<vmem_shared>>) offsets(%dma_start3A : memref<64xi32, #tpu.memory_space<vmem>>) semaphore(%run_scoped3A : memref<!tpu.dma_semaphore, #tpu.memory_space<semaphore_mem>>) {add = true}
          %dma_wait3A_146 = tpu.memref_slice %arg10[%mul3A_142] : memref<20544xi32, #tpu.memory_space<vmem>> -> memref<64xi32, #tpu.memory_space<vmem>>
          %dma_wait3A_147 = arith.constant 0 : i32
          %dma_wait3A_148 = arith.constant 0 : i32
          %dma_wait3A_149 = tpu.memref_slice %arg18[%dma_wait3A_147, %dma_wait3A_148] : memref<5136x8xf32, #tpu.memory_space<vmem_shared>> -> memref<5136x8xf32, #tpu.memory_space<vmem_shared>>
          tpu.wait_indirect_dma semaphore(%run_scoped3A : memref<!tpu.dma_semaphore, #tpu.memory_space<semaphore_mem>>) src(%arg16 : memref<64x8xf32, #tpu.memory_space<vmem>>) dst(%dma_wait3A_149 : memref<5136x8xf32, #tpu.memory_space<vmem_shared>>)
          tpu.yield
        }) : () -> ()
      } else {
      }
      %rem3A_121 = arith.constant 4 : i32
      %rem3A_122 = arith.remsi %while3A_100, %rem3A_121 : i32
      %eq3A_123 = arith.constant 3 : i32
      %eq3A_124 = arith.cmpi eq, %rem3A_122, %eq3A_123 : i32
      %convert_element_type3A_125 = arith.extui %eq3A_124 : i1 to i32
      %cond3A_126 = arith.constant 0 : i32
      %cond3A_127 = arith.cmpi ne, %convert_element_type3A_125, %cond3A_126 : i32
      scf.if %cond3A_127 {
        %mul3A_128 = arith.constant 64 : i32
        %mul3A_129 = arith.muli %while3A_100, %mul3A_128 : i32
        %dma_wait3A = tpu.memref_slice %arg11[%mul3A_129] : memref<20544xi32, #tpu.memory_space<vmem>> -> memref<64xi32, #tpu.memory_space<vmem>>
        %dma_wait3A_130 = arith.constant 0 : i32
        %dma_wait3A_131 = arith.constant 0 : i32
        %dma_wait3A_132 = tpu.memref_slice %arg2[%dma_wait3A_130, %dma_wait3A_131] : memref<10000x128xf32, #tpu.memory_space<hbm>> -> memref<10000x128xf32, #tpu.memory_space<hbm>>
        tpu.wait_indirect_dma semaphore(%arg22 : memref<!tpu.dma_semaphore, #tpu.memory_space<semaphore_mem>>) src(%dma_wait3A_132 : memref<10000x128xf32, #tpu.memory_space<hbm>>) dst(%arg15 : memref<64x128xf32, #tpu.memory_space<vmem>>)
        %add3A_133 = arith.constant 3 : i32
        %add3A_134 = arith.addi %while3A_100, %add3A_133 : i32
        %lt3A_135 = arith.cmpi slt, %add3A_134, %select_n3A : i32
        %convert_element_type3A_136 = arith.extui %lt3A_135 : i1 to i32
        %cond3A_137 = arith.constant 0 : i32
        %cond3A_138 = arith.cmpi ne, %convert_element_type3A_136, %cond3A_137 : i32
        scf.if %cond3A_138 {
          %add3A_143 = arith.constant 3 : i32
          %add3A_144 = arith.addi %while3A_100, %add3A_143 : i32
          %mul3A_145 = arith.constant 64 : i32
          %mul3A_146 = arith.muli %add3A_144, %mul3A_145 : i32
          %dma_start3A = tpu.memref_slice %arg11[%mul3A_146] : memref<20544xi32, #tpu.memory_space<vmem>> -> memref<64xi32, #tpu.memory_space<vmem>>
          %dma_start3A_147 = arith.constant 0 : i32
          %dma_start3A_148 = arith.constant 0 : i32
          %dma_start3A_149 = tpu.memref_slice %arg2[%dma_start3A_147, %dma_start3A_148] : memref<10000x128xf32, #tpu.memory_space<hbm>> -> memref<10000x128xf32, #tpu.memory_space<hbm>>
          tpu.enqueue_indirect_dma source(%dma_start3A_149 : memref<10000x128xf32, #tpu.memory_space<hbm>>) target(%arg14 : memref<64x128xf32, #tpu.memory_space<vmem>>) offsets(%dma_start3A : memref<64xi32, #tpu.memory_space<vmem>>) semaphore(%arg21 : memref<!tpu.dma_semaphore, #tpu.memory_space<semaphore_mem>>)
        } else {
        }
        %mul3A_139 = arith.constant 64 : i32
        %mul3A_140 = arith.muli %while3A_100, %mul3A_139 : i32
        "tpu.region"() ({
          %run_scoped3A = tpu.sem_alloc : memref<!tpu.dma_semaphore, #tpu.memory_space<semaphore_mem>>
          %dma_start3A = tpu.memref_slice %arg10[%mul3A_140] : memref<20544xi32, #tpu.memory_space<vmem>> -> memref<64xi32, #tpu.memory_space<vmem>>
          %dma_start3A_143 = arith.constant 0 : i32
          %dma_start3A_144 = arith.constant 0 : i32
          %dma_start3A_145 = tpu.memref_slice %arg17[%dma_start3A_143, %dma_start3A_144] : memref<5136x128xf32, #tpu.memory_space<vmem_shared>> -> memref<5136x128xf32, #tpu.memory_space<vmem_shared>>
          tpu.enqueue_indirect_dma source(%arg15 : memref<64x128xf32, #tpu.memory_space<vmem>>) target(%dma_start3A_145 : memref<5136x128xf32, #tpu.memory_space<vmem_shared>>) offsets(%dma_start3A : memref<64xi32, #tpu.memory_space<vmem>>) semaphore(%run_scoped3A : memref<!tpu.dma_semaphore, #tpu.memory_space<semaphore_mem>>) {add = true}
          %dma_wait3A_146 = tpu.memref_slice %arg10[%mul3A_140] : memref<20544xi32, #tpu.memory_space<vmem>> -> memref<64xi32, #tpu.memory_space<vmem>>
          %dma_wait3A_147 = arith.constant 0 : i32
          %dma_wait3A_148 = arith.constant 0 : i32
          %dma_wait3A_149 = tpu.memref_slice %arg17[%dma_wait3A_147, %dma_wait3A_148] : memref<5136x128xf32, #tpu.memory_space<vmem_shared>> -> memref<5136x128xf32, #tpu.memory_space<vmem_shared>>
          tpu.wait_indirect_dma semaphore(%run_scoped3A : memref<!tpu.dma_semaphore, #tpu.memory_space<semaphore_mem>>) src(%arg15 : memref<64x128xf32, #tpu.memory_space<vmem>>) dst(%dma_wait3A_149 : memref<5136x128xf32, #tpu.memory_space<vmem_shared>>)
          tpu.yield
        }) : () -> ()
        %mul3A_141 = arith.constant 64 : i32
        %mul3A_142 = arith.muli %while3A_100, %mul3A_141 : i32
        "tpu.region"() ({
          %run_scoped3A = tpu.sem_alloc : memref<!tpu.dma_semaphore, #tpu.memory_space<semaphore_mem>>
          %dma_start3A = tpu.memref_slice %arg10[%mul3A_142] : memref<20544xi32, #tpu.memory_space<vmem>> -> memref<64xi32, #tpu.memory_space<vmem>>
          %dma_start3A_143 = arith.constant 0 : i32
          %dma_start3A_144 = arith.constant 0 : i32
          %dma_start3A_145 = tpu.memref_slice %arg18[%dma_start3A_143, %dma_start3A_144] : memref<5136x8xf32, #tpu.memory_space<vmem_shared>> -> memref<5136x8xf32, #tpu.memory_space<vmem_shared>>
          tpu.enqueue_indirect_dma source(%arg16 : memref<64x8xf32, #tpu.memory_space<vmem>>) target(%dma_start3A_145 : memref<5136x8xf32, #tpu.memory_space<vmem_shared>>) offsets(%dma_start3A : memref<64xi32, #tpu.memory_space<vmem>>) semaphore(%run_scoped3A : memref<!tpu.dma_semaphore, #tpu.memory_space<semaphore_mem>>) {add = true}
          %dma_wait3A_146 = tpu.memref_slice %arg10[%mul3A_142] : memref<20544xi32, #tpu.memory_space<vmem>> -> memref<64xi32, #tpu.memory_space<vmem>>
          %dma_wait3A_147 = arith.constant 0 : i32
          %dma_wait3A_148 = arith.constant 0 : i32
          %dma_wait3A_149 = tpu.memref_slice %arg18[%dma_wait3A_147, %dma_wait3A_148] : memref<5136x8xf32, #tpu.memory_space<vmem_shared>> -> memref<5136x8xf32, #tpu.memory_space<vmem_shared>>
          tpu.wait_indirect_dma semaphore(%run_scoped3A : memref<!tpu.dma_semaphore, #tpu.memory_space<semaphore_mem>>) src(%arg16 : memref<64x8xf32, #tpu.memory_space<vmem>>) dst(%dma_wait3A_149 : memref<5136x8xf32, #tpu.memory_space<vmem_shared>>)
          tpu.yield
        }) : () -> ()
      } else {
      }
    }
    %while3A_98 = arith.constant 1 : i32
    scf.for %while3A_100 = %while3A_96 to %while3A_92 step %while3A_98  : i32 {
      %rem3A_101 = arith.constant 4 : i32
      %rem3A_102 = arith.remsi %while3A_100, %rem3A_101 : i32
      %eq3A = arith.constant 0 : i32
      %eq3A_103 = arith.cmpi eq, %rem3A_102, %eq3A : i32
      %convert_element_type3A_104 = arith.extui %eq3A_103 : i1 to i32
      %cond3A_105 = arith.constant 0 : i32
      %cond3A_106 = arith.cmpi ne, %convert_element_type3A_104, %cond3A_105 : i32
      scf.if %cond3A_106 {
        %mul3A_128 = arith.constant 64 : i32
        %mul3A_129 = arith.muli %while3A_100, %mul3A_128 : i32
        %dma_wait3A = tpu.memref_slice %arg11[%mul3A_129] : memref<20544xi32, #tpu.memory_space<vmem>> -> memref<64xi32, #tpu.memory_space<vmem>>
        %dma_wait3A_130 = arith.constant 0 : i32
        %dma_wait3A_131 = arith.constant 0 : i32
        %dma_wait3A_132 = tpu.memref_slice %arg2[%dma_wait3A_130, %dma_wait3A_131] : memref<10000x128xf32, #tpu.memory_space<hbm>> -> memref<10000x128xf32, #tpu.memory_space<hbm>>
        tpu.wait_indirect_dma semaphore(%arg19 : memref<!tpu.dma_semaphore, #tpu.memory_space<semaphore_mem>>) src(%dma_wait3A_132 : memref<10000x128xf32, #tpu.memory_space<hbm>>) dst(%arg12 : memref<64x128xf32, #tpu.memory_space<vmem>>)
        %add3A_133 = arith.constant 3 : i32
        %add3A_134 = arith.addi %while3A_100, %add3A_133 : i32
        %lt3A_135 = arith.cmpi slt, %add3A_134, %select_n3A : i32
        %convert_element_type3A_136 = arith.extui %lt3A_135 : i1 to i32
        %cond3A_137 = arith.constant 0 : i32
        %cond3A_138 = arith.cmpi ne, %convert_element_type3A_136, %cond3A_137 : i32
        scf.if %cond3A_138 {
          %add3A_143 = arith.constant 3 : i32
          %add3A_144 = arith.addi %while3A_100, %add3A_143 : i32
          %mul3A_145 = arith.constant 64 : i32
          %mul3A_146 = arith.muli %add3A_144, %mul3A_145 : i32
          %dma_start3A = tpu.memref_slice %arg11[%mul3A_146] : memref<20544xi32, #tpu.memory_space<vmem>> -> memref<64xi32, #tpu.memory_space<vmem>>
          %dma_start3A_147 = arith.constant 0 : i32
          %dma_start3A_148 = arith.constant 0 : i32
          %dma_start3A_149 = tpu.memref_slice %arg2[%dma_start3A_147, %dma_start3A_148] : memref<10000x128xf32, #tpu.memory_space<hbm>> -> memref<10000x128xf32, #tpu.memory_space<hbm>>
          tpu.enqueue_indirect_dma source(%dma_start3A_149 : memref<10000x128xf32, #tpu.memory_space<hbm>>) target(%arg15 : memref<64x128xf32, #tpu.memory_space<vmem>>) offsets(%dma_start3A : memref<64xi32, #tpu.memory_space<vmem>>) semaphore(%arg22 : memref<!tpu.dma_semaphore, #tpu.memory_space<semaphore_mem>>)
        } else {
        }
        %mul3A_139 = arith.constant 64 : i32
        %mul3A_140 = arith.muli %while3A_100, %mul3A_139 : i32
        "tpu.region"() ({
          %run_scoped3A = tpu.sem_alloc : memref<!tpu.dma_semaphore, #tpu.memory_space<semaphore_mem>>
          %dma_start3A = tpu.memref_slice %arg10[%mul3A_140] : memref<20544xi32, #tpu.memory_space<vmem>> -> memref<64xi32, #tpu.memory_space<vmem>>
          %dma_start3A_143 = arith.constant 0 : i32
          %dma_start3A_144 = arith.constant 0 : i32
          %dma_start3A_145 = tpu.memref_slice %arg17[%dma_start3A_143, %dma_start3A_144] : memref<5136x128xf32, #tpu.memory_space<vmem_shared>> -> memref<5136x128xf32, #tpu.memory_space<vmem_shared>>
          tpu.enqueue_indirect_dma source(%arg12 : memref<64x128xf32, #tpu.memory_space<vmem>>) target(%dma_start3A_145 : memref<5136x128xf32, #tpu.memory_space<vmem_shared>>) offsets(%dma_start3A : memref<64xi32, #tpu.memory_space<vmem>>) semaphore(%run_scoped3A : memref<!tpu.dma_semaphore, #tpu.memory_space<semaphore_mem>>) {add = true}
          %dma_wait3A_146 = tpu.memref_slice %arg10[%mul3A_140] : memref<20544xi32, #tpu.memory_space<vmem>> -> memref<64xi32, #tpu.memory_space<vmem>>
          %dma_wait3A_147 = arith.constant 0 : i32
          %dma_wait3A_148 = arith.constant 0 : i32
          %dma_wait3A_149 = tpu.memref_slice %arg17[%dma_wait3A_147, %dma_wait3A_148] : memref<5136x128xf32, #tpu.memory_space<vmem_shared>> -> memref<5136x128xf32, #tpu.memory_space<vmem_shared>>
          tpu.wait_indirect_dma semaphore(%run_scoped3A : memref<!tpu.dma_semaphore, #tpu.memory_space<semaphore_mem>>) src(%arg12 : memref<64x128xf32, #tpu.memory_space<vmem>>) dst(%dma_wait3A_149 : memref<5136x128xf32, #tpu.memory_space<vmem_shared>>)
          tpu.yield
        }) : () -> ()
        %mul3A_141 = arith.constant 64 : i32
        %mul3A_142 = arith.muli %while3A_100, %mul3A_141 : i32
        "tpu.region"() ({
          %run_scoped3A = tpu.sem_alloc : memref<!tpu.dma_semaphore, #tpu.memory_space<semaphore_mem>>
          %dma_start3A = tpu.memref_slice %arg10[%mul3A_142] : memref<20544xi32, #tpu.memory_space<vmem>> -> memref<64xi32, #tpu.memory_space<vmem>>
          %dma_start3A_143 = arith.constant 0 : i32
          %dma_start3A_144 = arith.constant 0 : i32
          %dma_start3A_145 = tpu.memref_slice %arg18[%dma_start3A_143, %dma_start3A_144] : memref<5136x8xf32, #tpu.memory_space<vmem_shared>> -> memref<5136x8xf32, #tpu.memory_space<vmem_shared>>
          tpu.enqueue_indirect_dma source(%arg16 : memref<64x8xf32, #tpu.memory_space<vmem>>) target(%dma_start3A_145 : memref<5136x8xf32, #tpu.memory_space<vmem_shared>>) offsets(%dma_start3A : memref<64xi32, #tpu.memory_space<vmem>>) semaphore(%run_scoped3A : memref<!tpu.dma_semaphore, #tpu.memory_space<semaphore_mem>>) {add = true}
          %dma_wait3A_146 = tpu.memref_slice %arg10[%mul3A_142] : memref<20544xi32, #tpu.memory_space<vmem>> -> memref<64xi32, #tpu.memory_space<vmem>>
          %dma_wait3A_147 = arith.constant 0 : i32
          %dma_wait3A_148 = arith.constant 0 : i32
          %dma_wait3A_149 = tpu.memref_slice %arg18[%dma_wait3A_147, %dma_wait3A_148] : memref<5136x8xf32, #tpu.memory_space<vmem_shared>> -> memref<5136x8xf32, #tpu.memory_space<vmem_shared>>
          tpu.wait_indirect_dma semaphore(%run_scoped3A : memref<!tpu.dma_semaphore, #tpu.memory_space<semaphore_mem>>) src(%arg16 : memref<64x8xf32, #tpu.memory_space<vmem>>) dst(%dma_wait3A_149 : memref<5136x8xf32, #tpu.memory_space<vmem_shared>>)
          tpu.yield
        }) : () -> ()
      } else {
      }
      %rem3A_107 = arith.constant 4 : i32
      %rem3A_108 = arith.remsi %while3A_100, %rem3A_107 : i32
      %eq3A_109 = arith.constant 1 : i32
      %eq3A_110 = arith.cmpi eq, %rem3A_108, %eq3A_109 : i32
      %convert_element_type3A_111 = arith.extui %eq3A_110 : i1 to i32
      %cond3A_112 = arith.constant 0 : i32
      %cond3A_113 = arith.cmpi ne, %convert_element_type3A_111, %cond3A_112 : i32
      scf.if %cond3A_113 {
        %mul3A_128 = arith.constant 64 : i32
        %mul3A_129 = arith.muli %while3A_100, %mul3A_128 : i32
        %dma_wait3A = tpu.memref_slice %arg11[%mul3A_129] : memref<20544xi32, #tpu.memory_space<vmem>> -> memref<64xi32, #tpu.memory_space<vmem>>
        %dma_wait3A_130 = arith.constant 0 : i32
        %dma_wait3A_131 = arith.constant 0 : i32
        %dma_wait3A_132 = tpu.memref_slice %arg2[%dma_wait3A_130, %dma_wait3A_131] : memref<10000x128xf32, #tpu.memory_space<hbm>> -> memref<10000x128xf32, #tpu.memory_space<hbm>>
        tpu.wait_indirect_dma semaphore(%arg20 : memref<!tpu.dma_semaphore, #tpu.memory_space<semaphore_mem>>) src(%dma_wait3A_132 : memref<10000x128xf32, #tpu.memory_space<hbm>>) dst(%arg13 : memref<64x128xf32, #tpu.memory_space<vmem>>)
        %add3A_133 = arith.constant 3 : i32
        %add3A_134 = arith.addi %while3A_100, %add3A_133 : i32
        %lt3A_135 = arith.cmpi slt, %add3A_134, %select_n3A : i32
        %convert_element_type3A_136 = arith.extui %lt3A_135 : i1 to i32
        %cond3A_137 = arith.constant 0 : i32
        %cond3A_138 = arith.cmpi ne, %convert_element_type3A_136, %cond3A_137 : i32
        scf.if %cond3A_138 {
          %add3A_143 = arith.constant 3 : i32
          %add3A_144 = arith.addi %while3A_100, %add3A_143 : i32
          %mul3A_145 = arith.constant 64 : i32
          %mul3A_146 = arith.muli %add3A_144, %mul3A_145 : i32
          %dma_start3A = tpu.memref_slice %arg11[%mul3A_146] : memref<20544xi32, #tpu.memory_space<vmem>> -> memref<64xi32, #tpu.memory_space<vmem>>
          %dma_start3A_147 = arith.constant 0 : i32
          %dma_start3A_148 = arith.constant 0 : i32
          %dma_start3A_149 = tpu.memref_slice %arg2[%dma_start3A_147, %dma_start3A_148] : memref<10000x128xf32, #tpu.memory_space<hbm>> -> memref<10000x128xf32, #tpu.memory_space<hbm>>
          tpu.enqueue_indirect_dma source(%dma_start3A_149 : memref<10000x128xf32, #tpu.memory_space<hbm>>) target(%arg12 : memref<64x128xf32, #tpu.memory_space<vmem>>) offsets(%dma_start3A : memref<64xi32, #tpu.memory_space<vmem>>) semaphore(%arg19 : memref<!tpu.dma_semaphore, #tpu.memory_space<semaphore_mem>>)
        } else {
        }
        %mul3A_139 = arith.constant 64 : i32
        %mul3A_140 = arith.muli %while3A_100, %mul3A_139 : i32
        "tpu.region"() ({
          %run_scoped3A = tpu.sem_alloc : memref<!tpu.dma_semaphore, #tpu.memory_space<semaphore_mem>>
          %dma_start3A = tpu.memref_slice %arg10[%mul3A_140] : memref<20544xi32, #tpu.memory_space<vmem>> -> memref<64xi32, #tpu.memory_space<vmem>>
          %dma_start3A_143 = arith.constant 0 : i32
          %dma_start3A_144 = arith.constant 0 : i32
          %dma_start3A_145 = tpu.memref_slice %arg17[%dma_start3A_143, %dma_start3A_144] : memref<5136x128xf32, #tpu.memory_space<vmem_shared>> -> memref<5136x128xf32, #tpu.memory_space<vmem_shared>>
          tpu.enqueue_indirect_dma source(%arg13 : memref<64x128xf32, #tpu.memory_space<vmem>>) target(%dma_start3A_145 : memref<5136x128xf32, #tpu.memory_space<vmem_shared>>) offsets(%dma_start3A : memref<64xi32, #tpu.memory_space<vmem>>) semaphore(%run_scoped3A : memref<!tpu.dma_semaphore, #tpu.memory_space<semaphore_mem>>) {add = true}
          %dma_wait3A_146 = tpu.memref_slice %arg10[%mul3A_140] : memref<20544xi32, #tpu.memory_space<vmem>> -> memref<64xi32, #tpu.memory_space<vmem>>
          %dma_wait3A_147 = arith.constant 0 : i32
          %dma_wait3A_148 = arith.constant 0 : i32
          %dma_wait3A_149 = tpu.memref_slice %arg17[%dma_wait3A_147, %dma_wait3A_148] : memref<5136x128xf32, #tpu.memory_space<vmem_shared>> -> memref<5136x128xf32, #tpu.memory_space<vmem_shared>>
          tpu.wait_indirect_dma semaphore(%run_scoped3A : memref<!tpu.dma_semaphore, #tpu.memory_space<semaphore_mem>>) src(%arg13 : memref<64x128xf32, #tpu.memory_space<vmem>>) dst(%dma_wait3A_149 : memref<5136x128xf32, #tpu.memory_space<vmem_shared>>)
          tpu.yield
        }) : () -> ()
        %mul3A_141 = arith.constant 64 : i32
        %mul3A_142 = arith.muli %while3A_100, %mul3A_141 : i32
        "tpu.region"() ({
          %run_scoped3A = tpu.sem_alloc : memref<!tpu.dma_semaphore, #tpu.memory_space<semaphore_mem>>
          %dma_start3A = tpu.memref_slice %arg10[%mul3A_142] : memref<20544xi32, #tpu.memory_space<vmem>> -> memref<64xi32, #tpu.memory_space<vmem>>
          %dma_start3A_143 = arith.constant 0 : i32
          %dma_start3A_144 = arith.constant 0 : i32
          %dma_start3A_145 = tpu.memref_slice %arg18[%dma_start3A_143, %dma_start3A_144] : memref<5136x8xf32, #tpu.memory_space<vmem_shared>> -> memref<5136x8xf32, #tpu.memory_space<vmem_shared>>
          tpu.enqueue_indirect_dma source(%arg16 : memref<64x8xf32, #tpu.memory_space<vmem>>) target(%dma_start3A_145 : memref<5136x8xf32, #tpu.memory_space<vmem_shared>>) offsets(%dma_start3A : memref<64xi32, #tpu.memory_space<vmem>>) semaphore(%run_scoped3A : memref<!tpu.dma_semaphore, #tpu.memory_space<semaphore_mem>>) {add = true}
          %dma_wait3A_146 = tpu.memref_slice %arg10[%mul3A_142] : memref<20544xi32, #tpu.memory_space<vmem>> -> memref<64xi32, #tpu.memory_space<vmem>>
          %dma_wait3A_147 = arith.constant 0 : i32
          %dma_wait3A_148 = arith.constant 0 : i32
          %dma_wait3A_149 = tpu.memref_slice %arg18[%dma_wait3A_147, %dma_wait3A_148] : memref<5136x8xf32, #tpu.memory_space<vmem_shared>> -> memref<5136x8xf32, #tpu.memory_space<vmem_shared>>
          tpu.wait_indirect_dma semaphore(%run_scoped3A : memref<!tpu.dma_semaphore, #tpu.memory_space<semaphore_mem>>) src(%arg16 : memref<64x8xf32, #tpu.memory_space<vmem>>) dst(%dma_wait3A_149 : memref<5136x8xf32, #tpu.memory_space<vmem_shared>>)
          tpu.yield
        }) : () -> ()
      } else {
      }
      %rem3A_114 = arith.constant 4 : i32
      %rem3A_115 = arith.remsi %while3A_100, %rem3A_114 : i32
      %eq3A_116 = arith.constant 2 : i32
      %eq3A_117 = arith.cmpi eq, %rem3A_115, %eq3A_116 : i32
      %convert_element_type3A_118 = arith.extui %eq3A_117 : i1 to i32
      %cond3A_119 = arith.constant 0 : i32
      %cond3A_120 = arith.cmpi ne, %convert_element_type3A_118, %cond3A_119 : i32
      scf.if %cond3A_120 {
        %mul3A_128 = arith.constant 64 : i32
        %mul3A_129 = arith.muli %while3A_100, %mul3A_128 : i32
        %dma_wait3A = tpu.memref_slice %arg11[%mul3A_129] : memref<20544xi32, #tpu.memory_space<vmem>> -> memref<64xi32, #tpu.memory_space<vmem>>
        %dma_wait3A_130 = arith.constant 0 : i32
        %dma_wait3A_131 = arith.constant 0 : i32
        %dma_wait3A_132 = tpu.memref_slice %arg2[%dma_wait3A_130, %dma_wait3A_131] : memref<10000x128xf32, #tpu.memory_space<hbm>> -> memref<10000x128xf32, #tpu.memory_space<hbm>>
        tpu.wait_indirect_dma semaphore(%arg21 : memref<!tpu.dma_semaphore, #tpu.memory_space<semaphore_mem>>) src(%dma_wait3A_132 : memref<10000x128xf32, #tpu.memory_space<hbm>>) dst(%arg14 : memref<64x128xf32, #tpu.memory_space<vmem>>)
        %add3A_133 = arith.constant 3 : i32
        %add3A_134 = arith.addi %while3A_100, %add3A_133 : i32
        %lt3A_135 = arith.cmpi slt, %add3A_134, %select_n3A : i32
        %convert_element_type3A_136 = arith.extui %lt3A_135 : i1 to i32
        %cond3A_137 = arith.constant 0 : i32
        %cond3A_138 = arith.cmpi ne, %convert_element_type3A_136, %cond3A_137 : i32
        scf.if %cond3A_138 {
          %add3A_143 = arith.constant 3 : i32
          %add3A_144 = arith.addi %while3A_100, %add3A_143 : i32
          %mul3A_145 = arith.constant 64 : i32
          %mul3A_146 = arith.muli %add3A_144, %mul3A_145 : i32
          %dma_start3A = tpu.memref_slice %arg11[%mul3A_146] : memref<20544xi32, #tpu.memory_space<vmem>> -> memref<64xi32, #tpu.memory_space<vmem>>
          %dma_start3A_147 = arith.constant 0 : i32
          %dma_start3A_148 = arith.constant 0 : i32
          %dma_start3A_149 = tpu.memref_slice %arg2[%dma_start3A_147, %dma_start3A_148] : memref<10000x128xf32, #tpu.memory_space<hbm>> -> memref<10000x128xf32, #tpu.memory_space<hbm>>
          tpu.enqueue_indirect_dma source(%dma_start3A_149 : memref<10000x128xf32, #tpu.memory_space<hbm>>) target(%arg13 : memref<64x128xf32, #tpu.memory_space<vmem>>) offsets(%dma_start3A : memref<64xi32, #tpu.memory_space<vmem>>) semaphore(%arg20 : memref<!tpu.dma_semaphore, #tpu.memory_space<semaphore_mem>>)
        } else {
        }
        %mul3A_139 = arith.constant 64 : i32
        %mul3A_140 = arith.muli %while3A_100, %mul3A_139 : i32
        "tpu.region"() ({
          %run_scoped3A = tpu.sem_alloc : memref<!tpu.dma_semaphore, #tpu.memory_space<semaphore_mem>>
          %dma_start3A = tpu.memref_slice %arg10[%mul3A_140] : memref<20544xi32, #tpu.memory_space<vmem>> -> memref<64xi32, #tpu.memory_space<vmem>>
          %dma_start3A_143 = arith.constant 0 : i32
          %dma_start3A_144 = arith.constant 0 : i32
          %dma_start3A_145 = tpu.memref_slice %arg17[%dma_start3A_143, %dma_start3A_144] : memref<5136x128xf32, #tpu.memory_space<vmem_shared>> -> memref<5136x128xf32, #tpu.memory_space<vmem_shared>>
          tpu.enqueue_indirect_dma source(%arg14 : memref<64x128xf32, #tpu.memory_space<vmem>>) target(%dma_start3A_145 : memref<5136x128xf32, #tpu.memory_space<vmem_shared>>) offsets(%dma_start3A : memref<64xi32, #tpu.memory_space<vmem>>) semaphore(%run_scoped3A : memref<!tpu.dma_semaphore, #tpu.memory_space<semaphore_mem>>) {add = true}
          %dma_wait3A_146 = tpu.memref_slice %arg10[%mul3A_140] : memref<20544xi32, #tpu.memory_space<vmem>> -> memref<64xi32, #tpu.memory_space<vmem>>
          %dma_wait3A_147 = arith.constant 0 : i32
          %dma_wait3A_148 = arith.constant 0 : i32
          %dma_wait3A_149 = tpu.memref_slice %arg17[%dma_wait3A_147, %dma_wait3A_148] : memref<5136x128xf32, #tpu.memory_space<vmem_shared>> -> memref<5136x128xf32, #tpu.memory_space<vmem_shared>>
          tpu.wait_indirect_dma semaphore(%run_scoped3A : memref<!tpu.dma_semaphore, #tpu.memory_space<semaphore_mem>>) src(%arg14 : memref<64x128xf32, #tpu.memory_space<vmem>>) dst(%dma_wait3A_149 : memref<5136x128xf32, #tpu.memory_space<vmem_shared>>)
          tpu.yield
        }) : () -> ()
        %mul3A_141 = arith.constant 64 : i32
        %mul3A_142 = arith.muli %while3A_100, %mul3A_141 : i32
        "tpu.region"() ({
          %run_scoped3A = tpu.sem_alloc : memref<!tpu.dma_semaphore, #tpu.memory_space<semaphore_mem>>
          %dma_start3A = tpu.memref_slice %arg10[%mul3A_142] : memref<20544xi32, #tpu.memory_space<vmem>> -> memref<64xi32, #tpu.memory_space<vmem>>
          %dma_start3A_143 = arith.constant 0 : i32
          %dma_start3A_144 = arith.constant 0 : i32
          %dma_start3A_145 = tpu.memref_slice %arg18[%dma_start3A_143, %dma_start3A_144] : memref<5136x8xf32, #tpu.memory_space<vmem_shared>> -> memref<5136x8xf32, #tpu.memory_space<vmem_shared>>
          tpu.enqueue_indirect_dma source(%arg16 : memref<64x8xf32, #tpu.memory_space<vmem>>) target(%dma_start3A_145 : memref<5136x8xf32, #tpu.memory_space<vmem_shared>>) offsets(%dma_start3A : memref<64xi32, #tpu.memory_space<vmem>>) semaphore(%run_scoped3A : memref<!tpu.dma_semaphore, #tpu.memory_space<semaphore_mem>>) {add = true}
          %dma_wait3A_146 = tpu.memref_slice %arg10[%mul3A_142] : memref<20544xi32, #tpu.memory_space<vmem>> -> memref<64xi32, #tpu.memory_space<vmem>>
          %dma_wait3A_147 = arith.constant 0 : i32
          %dma_wait3A_148 = arith.constant 0 : i32
          %dma_wait3A_149 = tpu.memref_slice %arg18[%dma_wait3A_147, %dma_wait3A_148] : memref<5136x8xf32, #tpu.memory_space<vmem_shared>> -> memref<5136x8xf32, #tpu.memory_space<vmem_shared>>
          tpu.wait_indirect_dma semaphore(%run_scoped3A : memref<!tpu.dma_semaphore, #tpu.memory_space<semaphore_mem>>) src(%arg16 : memref<64x8xf32, #tpu.memory_space<vmem>>) dst(%dma_wait3A_149 : memref<5136x8xf32, #tpu.memory_space<vmem_shared>>)
          tpu.yield
        }) : () -> ()
      } else {
      }
      %rem3A_121 = arith.constant 4 : i32
      %rem3A_122 = arith.remsi %while3A_100, %rem3A_121 : i32
      %eq3A_123 = arith.constant 3 : i32
      %eq3A_124 = arith.cmpi eq, %rem3A_122, %eq3A_123 : i32
      %convert_element_type3A_125 = arith.extui %eq3A_124 : i1 to i32
      %cond3A_126 = arith.constant 0 : i32
      %cond3A_127 = arith.cmpi ne, %convert_element_type3A_125, %cond3A_126 : i32
      scf.if %cond3A_127 {
        %mul3A_128 = arith.constant 64 : i32
        %mul3A_129 = arith.muli %while3A_100, %mul3A_128 : i32
        %dma_wait3A = tpu.memref_slice %arg11[%mul3A_129] : memref<20544xi32, #tpu.memory_space<vmem>> -> memref<64xi32, #tpu.memory_space<vmem>>
        %dma_wait3A_130 = arith.constant 0 : i32
        %dma_wait3A_131 = arith.constant 0 : i32
        %dma_wait3A_132 = tpu.memref_slice %arg2[%dma_wait3A_130, %dma_wait3A_131] : memref<10000x128xf32, #tpu.memory_space<hbm>> -> memref<10000x128xf32, #tpu.memory_space<hbm>>
        tpu.wait_indirect_dma semaphore(%arg22 : memref<!tpu.dma_semaphore, #tpu.memory_space<semaphore_mem>>) src(%dma_wait3A_132 : memref<10000x128xf32, #tpu.memory_space<hbm>>) dst(%arg15 : memref<64x128xf32, #tpu.memory_space<vmem>>)
        %add3A_133 = arith.constant 3 : i32
        %add3A_134 = arith.addi %while3A_100, %add3A_133 : i32
        %lt3A_135 = arith.cmpi slt, %add3A_134, %select_n3A : i32
        %convert_element_type3A_136 = arith.extui %lt3A_135 : i1 to i32
        %cond3A_137 = arith.constant 0 : i32
        %cond3A_138 = arith.cmpi ne, %convert_element_type3A_136, %cond3A_137 : i32
        scf.if %cond3A_138 {
          %add3A_143 = arith.constant 3 : i32
          %add3A_144 = arith.addi %while3A_100, %add3A_143 : i32
          %mul3A_145 = arith.constant 64 : i32
          %mul3A_146 = arith.muli %add3A_144, %mul3A_145 : i32
          %dma_start3A = tpu.memref_slice %arg11[%mul3A_146] : memref<20544xi32, #tpu.memory_space<vmem>> -> memref<64xi32, #tpu.memory_space<vmem>>
          %dma_start3A_147 = arith.constant 0 : i32
          %dma_start3A_148 = arith.constant 0 : i32
          %dma_start3A_149 = tpu.memref_slice %arg2[%dma_start3A_147, %dma_start3A_148] : memref<10000x128xf32, #tpu.memory_space<hbm>> -> memref<10000x128xf32, #tpu.memory_space<hbm>>
          tpu.enqueue_indirect_dma source(%dma_start3A_149 : memref<10000x128xf32, #tpu.memory_space<hbm>>) target(%arg14 : memref<64x128xf32, #tpu.memory_space<vmem>>) offsets(%dma_start3A : memref<64xi32, #tpu.memory_space<vmem>>) semaphore(%arg21 : memref<!tpu.dma_semaphore, #tpu.memory_space<semaphore_mem>>)
        } else {
        }
        %mul3A_139 = arith.constant 64 : i32
        %mul3A_140 = arith.muli %while3A_100, %mul3A_139 : i32
        "tpu.region"() ({
          %run_scoped3A = tpu.sem_alloc : memref<!tpu.dma_semaphore, #tpu.memory_space<semaphore_mem>>
          %dma_start3A = tpu.memref_slice %arg10[%mul3A_140] : memref<20544xi32, #tpu.memory_space<vmem>> -> memref<64xi32, #tpu.memory_space<vmem>>
          %dma_start3A_143 = arith.constant 0 : i32
          %dma_start3A_144 = arith.constant 0 : i32
          %dma_start3A_145 = tpu.memref_slice %arg17[%dma_start3A_143, %dma_start3A_144] : memref<5136x128xf32, #tpu.memory_space<vmem_shared>> -> memref<5136x128xf32, #tpu.memory_space<vmem_shared>>
          tpu.enqueue_indirect_dma source(%arg15 : memref<64x128xf32, #tpu.memory_space<vmem>>) target(%dma_start3A_145 : memref<5136x128xf32, #tpu.memory_space<vmem_shared>>) offsets(%dma_start3A : memref<64xi32, #tpu.memory_space<vmem>>) semaphore(%run_scoped3A : memref<!tpu.dma_semaphore, #tpu.memory_space<semaphore_mem>>) {add = true}
          %dma_wait3A_146 = tpu.memref_slice %arg10[%mul3A_140] : memref<20544xi32, #tpu.memory_space<vmem>> -> memref<64xi32, #tpu.memory_space<vmem>>
          %dma_wait3A_147 = arith.constant 0 : i32
          %dma_wait3A_148 = arith.constant 0 : i32
          %dma_wait3A_149 = tpu.memref_slice %arg17[%dma_wait3A_147, %dma_wait3A_148] : memref<5136x128xf32, #tpu.memory_space<vmem_shared>> -> memref<5136x128xf32, #tpu.memory_space<vmem_shared>>
          tpu.wait_indirect_dma semaphore(%run_scoped3A : memref<!tpu.dma_semaphore, #tpu.memory_space<semaphore_mem>>) src(%arg15 : memref<64x128xf32, #tpu.memory_space<vmem>>) dst(%dma_wait3A_149 : memref<5136x128xf32, #tpu.memory_space<vmem_shared>>)
          tpu.yield
        }) : () -> ()
        %mul3A_141 = arith.constant 64 : i32
        %mul3A_142 = arith.muli %while3A_100, %mul3A_141 : i32
        "tpu.region"() ({
          %run_scoped3A = tpu.sem_alloc : memref<!tpu.dma_semaphore, #tpu.memory_space<semaphore_mem>>
          %dma_start3A = tpu.memref_slice %arg10[%mul3A_142] : memref<20544xi32, #tpu.memory_space<vmem>> -> memref<64xi32, #tpu.memory_space<vmem>>
          %dma_start3A_143 = arith.constant 0 : i32
          %dma_start3A_144 = arith.constant 0 : i32
          %dma_start3A_145 = tpu.memref_slice %arg18[%dma_start3A_143, %dma_start3A_144] : memref<5136x8xf32, #tpu.memory_space<vmem_shared>> -> memref<5136x8xf32, #tpu.memory_space<vmem_shared>>
          tpu.enqueue_indirect_dma source(%arg16 : memref<64x8xf32, #tpu.memory_space<vmem>>) target(%dma_start3A_145 : memref<5136x8xf32, #tpu.memory_space<vmem_shared>>) offsets(%dma_start3A : memref<64xi32, #tpu.memory_space<vmem>>) semaphore(%run_scoped3A : memref<!tpu.dma_semaphore, #tpu.memory_space<semaphore_mem>>) {add = true}
          %dma_wait3A_146 = tpu.memref_slice %arg10[%mul3A_142] : memref<20544xi32, #tpu.memory_space<vmem>> -> memref<64xi32, #tpu.memory_space<vmem>>
          %dma_wait3A_147 = arith.constant 0 : i32
          %dma_wait3A_148 = arith.constant 0 : i32
          %dma_wait3A_149 = tpu.memref_slice %arg18[%dma_wait3A_147, %dma_wait3A_148] : memref<5136x8xf32, #tpu.memory_space<vmem_shared>> -> memref<5136x8xf32, #tpu.memory_space<vmem_shared>>
          tpu.wait_indirect_dma semaphore(%run_scoped3A : memref<!tpu.dma_semaphore, #tpu.memory_space<semaphore_mem>>) src(%arg16 : memref<64x8xf32, #tpu.memory_space<vmem>>) dst(%dma_wait3A_149 : memref<5136x8xf32, #tpu.memory_space<vmem_shared>>)
          tpu.yield
        }) : () -> ()
      } else {
      }
    }
    %barrier3A_99 = arith.constant 0 : index
    tpu.barrier barrier_id(%barrier3A_99)
    "tpu.region"() ({
      %run_scoped3A = tpu.sem_alloc : memref<!tpu.dma_semaphore, #tpu.memory_space<semaphore_mem>>
      %dma_start3A = arith.constant 0 : i32
      %dma_start3A_100 = tpu.memref_slice %arg8[%arg0, %mul3A_0, %dma_start3A] : memref<2x5136x128xf32, #tpu.memory_space<hbm>> -> memref<1x321x128xf32, #tpu.memory_space<hbm>>
      %dma_start3A_101 = tpu.memref_squeeze %dma_start3A_100 : memref<1x321x128xf32, #tpu.memory_space<hbm>> -> memref<321x128xf32, #tpu.memory_space<hbm>>
      %dma_start3A_102 = arith.constant 0 : i32
      %dma_start3A_103 = tpu.memref_slice %arg17[%mul3A_0, %dma_start3A_102] : memref<5136x128xf32, #tpu.memory_space<vmem_shared>> -> memref<321x128xf32, #tpu.memory_space<vmem_shared>>
      tpu.enqueue_dma source(%dma_start3A_103 : memref<321x128xf32, #tpu.memory_space<vmem_shared>>) target(%dma_start3A_101 : memref<321x128xf32, #tpu.memory_space<hbm>>) target_semaphore(%run_scoped3A : memref<!tpu.dma_semaphore, #tpu.memory_space<semaphore_mem>>)
      %dma_wait3A = arith.constant 0 : i32
      %dma_wait3A_104 = tpu.memref_slice %arg8[%arg0, %mul3A_0, %dma_wait3A] : memref<2x5136x128xf32, #tpu.memory_space<hbm>> -> memref<1x321x128xf32, #tpu.memory_space<hbm>>
      %dma_wait3A_105 = tpu.memref_squeeze %dma_wait3A_104 : memref<1x321x128xf32, #tpu.memory_space<hbm>> -> memref<321x128xf32, #tpu.memory_space<hbm>>
      %dma_wait3A_106 = arith.constant 0 : i32
      %dma_wait3A_107 = tpu.memref_slice %arg17[%mul3A_0, %dma_wait3A_106] : memref<5136x128xf32, #tpu.memory_space<vmem_shared>> -> memref<321x128xf32, #tpu.memory_space<vmem_shared>>
      tpu.wait_dma2 semaphore(%run_scoped3A : memref<!tpu.dma_semaphore, #tpu.memory_space<semaphore_mem>>) src(%dma_wait3A_107 : memref<321x128xf32, #tpu.memory_space<vmem_shared>>) dst(%dma_wait3A_105 : memref<321x128xf32, #tpu.memory_space<hbm>>)
      tpu.yield
    }) : () -> ()
    "tpu.region"() ({
      %run_scoped3A = tpu.sem_alloc : memref<!tpu.dma_semaphore, #tpu.memory_space<semaphore_mem>>
      %dma_start3A = arith.constant 0 : i32
      %dma_start3A_100 = tpu.memref_slice %arg9[%arg0, %mul3A_0, %dma_start3A] : memref<2x5136x8xf32, #tpu.memory_space<hbm>> -> memref<1x321x8xf32, #tpu.memory_space<hbm>>
      %dma_start3A_101 = tpu.memref_squeeze %dma_start3A_100 : memref<1x321x8xf32, #tpu.memory_space<hbm>> -> memref<321x8xf32, #tpu.memory_space<hbm>>
      %dma_start3A_102 = arith.constant 0 : i32
      %dma_start3A_103 = tpu.memref_slice %arg18[%mul3A_0, %dma_start3A_102] : memref<5136x8xf32, #tpu.memory_space<vmem_shared>> -> memref<321x8xf32, #tpu.memory_space<vmem_shared>>
      tpu.enqueue_dma source(%dma_start3A_103 : memref<321x8xf32, #tpu.memory_space<vmem_shared>>) target(%dma_start3A_101 : memref<321x8xf32, #tpu.memory_space<hbm>>) target_semaphore(%run_scoped3A : memref<!tpu.dma_semaphore, #tpu.memory_space<semaphore_mem>>)
      %dma_wait3A = arith.constant 0 : i32
      %dma_wait3A_104 = tpu.memref_slice %arg9[%arg0, %mul3A_0, %dma_wait3A] : memref<2x5136x8xf32, #tpu.memory_space<hbm>> -> memref<1x321x8xf32, #tpu.memory_space<hbm>>
      %dma_wait3A_105 = tpu.memref_squeeze %dma_wait3A_104 : memref<1x321x8xf32, #tpu.memory_space<hbm>> -> memref<321x8xf32, #tpu.memory_space<hbm>>
      %dma_wait3A_106 = arith.constant 0 : i32
      %dma_wait3A_107 = tpu.memref_slice %arg18[%mul3A_0, %dma_wait3A_106] : memref<5136x8xf32, #tpu.memory_space<vmem_shared>> -> memref<321x8xf32, #tpu.memory_space<vmem_shared>>
      tpu.wait_dma2 semaphore(%run_scoped3A : memref<!tpu.dma_semaphore, #tpu.memory_space<semaphore_mem>>) src(%dma_wait3A_107 : memref<321x8xf32, #tpu.memory_space<vmem_shared>>) dst(%dma_wait3A_105 : memref<321x8xf32, #tpu.memory_space<hbm>>)
      tpu.yield
    }) : () -> ()
    return
  }
}

module attributes {stable_mosaic.version = 14 : i64} {
  func.func @_tc_combine_kernel(%arg0: i32, %arg1: memref<1000x128xf32, #tpu.memory_space<vmem>>, %arg2: memref<128x128xf32, #tpu.memory_space<vmem>>, %arg3: memref<1000x128xf32, #tpu.memory_space<vmem>>, %arg4: memref<1000x8xf32, #tpu.memory_space<vmem>>, %arg5: memref<1000x128xf32, #tpu.memory_space<vmem>>) attributes {dimension_semantics = [#tpu.dimension_semantics<arbitrary>], iteration_bounds = array<i64: 10>, scalar_prefetch = 0 : i64, scratch_operands = 0 : i64, tpu.core_type = #tpu.core_type<tc>, window_params = [{transform_indices = @transform_0, window_bounds = array<i64: 1000, 128>}, {pipeline_mode = #tpu.pipeline_mode<synchronous>, transform_indices = @transform_1, window_bounds = array<i64: 128, 128>}, {transform_indices = @transform_2, window_bounds = array<i64: 1000, 128>}, {transform_indices = @transform_3, window_bounds = array<i64: 1000, 8>}, {transform_indices = @transform_4, window_bounds = array<i64: 1000, 128>}]} {
    %get3A = arith.constant 0 : index
    %get3A_0 = arith.constant 0 : index
    %get3A_1 = vector.load %arg1[%get3A, %get3A_0] : memref<1000x128xf32, #tpu.memory_space<vmem>>, vector<1000x128xf32>
    %get3A_2 = arith.constant 0 : index
    %get3A_3 = arith.constant 0 : index
    %get3A_4 = vector.load %arg3[%get3A_2, %get3A_3] : memref<1000x128xf32, #tpu.memory_space<vmem>>, vector<1000x128xf32>
    %get3A_5 = arith.constant 0 : index
    %get3A_6 = arith.constant 0 : index
    %get3A_7 = vector.load %arg4[%get3A_5, %get3A_6] : memref<1000x8xf32, #tpu.memory_space<vmem>>, vector<1000x8xf32>
    %slice3A = vector.extract_strided_slice %get3A_7 {offsets = [0, 0], sizes = [1000, 1], strides = [1, 1]} : vector<1000x8xf32> to vector<1000x1xf32>
    %max3A = arith.constant 1.000000e+00 : f32
    %max3A_8 = vector.broadcast %max3A : f32 to vector<1000x1xf32>
    %max3A_9 = arith.maximumf %slice3A, %max3A_8 : vector<1000x1xf32>
    %div3A = vector.broadcast %max3A_9 : vector<1000x1xf32> to vector<1000x128xf32>
    %div3A_10 = arith.divf %get3A_4, %div3A : vector<1000x128xf32>
    %lt3A = arith.constant 1.500000e+00 : f32
    %lt3A_11 = vector.broadcast %lt3A : f32 to vector<1000x1xf32>
    %lt3A_12 = arith.cmpf olt, %slice3A, %lt3A_11 : vector<1000x1xf32>
    %lt3A_13 = arith.constant 5.000000e-01 : f32
    %lt3A_14 = vector.broadcast %lt3A_13 : f32 to vector<1000x1xf32>
    %lt3A_15 = arith.cmpf olt, %slice3A, %lt3A_14 : vector<1000x1xf32>
    %jit3A = arith.constant 1.000000e+00 : f32
    %jit3A_16 = arith.constant 1.500000e+00 : f32
    %broadcast_in_dim3A = vector.broadcast %jit3A : f32 to vector<1000x1xf32>
    %broadcast_in_dim3A_17 = vector.broadcast %jit3A_16 : f32 to vector<1000x1xf32>
    %select_n3A = arith.select %lt3A_15, %broadcast_in_dim3A, %broadcast_in_dim3A_17 : vector<1000x1xi1>, vector<1000x1xf32>
    %lt3A_18 = arith.constant 3.500000e+00 : f32
    %lt3A_19 = vector.broadcast %lt3A_18 : f32 to vector<1000x1xf32>
    %lt3A_20 = arith.cmpf olt, %slice3A, %lt3A_19 : vector<1000x1xf32>
    %lt3A_21 = arith.constant 2.500000e+00 : f32
    %lt3A_22 = vector.broadcast %lt3A_21 : f32 to vector<1000x1xf32>
    %lt3A_23 = arith.cmpf olt, %slice3A, %lt3A_22 : vector<1000x1xf32>
    %jit3A_24 = arith.constant 1.83333337 : f32
    %jit3A_25 = arith.constant 2.08333349 : f32
    %broadcast_in_dim3A_26 = vector.broadcast %jit3A_24 : f32 to vector<1000x1xf32>
    %broadcast_in_dim3A_27 = vector.broadcast %jit3A_25 : f32 to vector<1000x1xf32>
    %select_n3A_28 = arith.select %lt3A_23, %broadcast_in_dim3A_26, %broadcast_in_dim3A_27 : vector<1000x1xi1>, vector<1000x1xf32>
    %lt3A_29 = arith.constant 4.500000e+00 : f32
    %lt3A_30 = vector.broadcast %lt3A_29 : f32 to vector<1000x1xf32>
    %lt3A_31 = arith.cmpf olt, %slice3A, %lt3A_30 : vector<1000x1xf32>
    %lt3A_32 = arith.constant 5.500000e+00 : f32
    %lt3A_33 = vector.broadcast %lt3A_32 : f32 to vector<1000x1xf32>
    %lt3A_34 = arith.cmpf olt, %slice3A, %lt3A_33 : vector<1000x1xf32>
    %jit3A_35 = arith.constant 2.45000029 : f32
    %jit3A_36 = arith.constant 2.59285736 : f32
    %broadcast_in_dim3A_37 = vector.broadcast %jit3A_35 : f32 to vector<1000x1xf32>
    %broadcast_in_dim3A_38 = vector.broadcast %jit3A_36 : f32 to vector<1000x1xf32>
    %select_n3A_39 = arith.select %lt3A_34, %broadcast_in_dim3A_37, %broadcast_in_dim3A_38 : vector<1000x1xi1>, vector<1000x1xf32>
    %jit3A_40 = arith.constant 2.28333354 : f32
    %broadcast_in_dim3A_41 = vector.broadcast %jit3A_40 : f32 to vector<1000x1xf32>
    %select_n3A_42 = arith.select %lt3A_31, %broadcast_in_dim3A_41, %select_n3A_39 : vector<1000x1xi1>, vector<1000x1xf32>
    %select_n3A_43 = arith.select %lt3A_20, %select_n3A_28, %select_n3A_42 : vector<1000x1xi1>, vector<1000x1xf32>
    %select_n3A_44 = arith.select %lt3A_12, %select_n3A, %select_n3A_43 : vector<1000x1xi1>, vector<1000x1xf32>
    %mul3A = vector.broadcast %select_n3A_44 : vector<1000x1xf32> to vector<1000x128xf32>
    %mul3A_45 = arith.mulf %get3A_1, %mul3A : vector<1000x128xf32>
    %sub3A = arith.constant 1.000000e+00 : f32
    %sub3A_46 = vector.broadcast %sub3A : f32 to vector<1000x1xf32>
    %sub3A_47 = arith.subf %select_n3A_44, %sub3A_46 : vector<1000x1xf32>
    %mul3A_48 = vector.broadcast %sub3A_47 : vector<1000x1xf32> to vector<1000x128xf32>
    %mul3A_49 = arith.mulf %div3A_10, %mul3A_48 : vector<1000x128xf32>
    %sub3A_50 = arith.subf %mul3A_45, %mul3A_49 : vector<1000x128xf32>
    %add3A = arith.constant 1.000000e+00 : f32
    %add3A_51 = vector.broadcast %add3A : f32 to vector<1000x1xf32>
    %add3A_52 = arith.addf %slice3A, %add3A_51 : vector<1000x1xf32>
    %div3A_53 = vector.broadcast %add3A_52 : vector<1000x1xf32> to vector<1000x128xf32>
    %div3A_54 = arith.divf %sub3A_50, %div3A_53 : vector<1000x128xf32>
    %lt3A_55 = arith.constant 5.000000e-01 : f32
    %lt3A_56 = vector.broadcast %lt3A_55 : f32 to vector<1000x1xf32>
    %lt3A_57 = arith.cmpf olt, %slice3A, %lt3A_56 : vector<1000x1xf32>
    %broadcast_in_dim3A_58 = arith.constant 0.000000e+00 : f32
    %broadcast_in_dim3A_59 = vector.broadcast %broadcast_in_dim3A_58 : f32 to vector<1000x128xf32>
    %lt3A_60 = arith.constant 5.500000e+00 : f32
    %lt3A_61 = vector.broadcast %lt3A_60 : f32 to vector<1000x1xf32>
    %lt3A_62 = arith.cmpf olt, %slice3A, %lt3A_61 : vector<1000x1xf32>
    %broadcast_in_dim3A_63 = vector.shape_cast %lt3A_62 : vector<1000x1xi1> to vector<1000x1xi1>
    %broadcast_in_dim3A_64 = vector.broadcast %broadcast_in_dim3A_63 : vector<1000x1xi1> to vector<1000x128xi1>
    %select_n3A_65 = arith.select %broadcast_in_dim3A_64, %div3A_54, %div3A_10 : vector<1000x128xi1>, vector<1000x128xf32>
    %broadcast_in_dim3A_66 = vector.shape_cast %lt3A_57 : vector<1000x1xi1> to vector<1000x1xi1>
    %broadcast_in_dim3A_67 = vector.broadcast %broadcast_in_dim3A_66 : vector<1000x1xi1> to vector<1000x128xi1>
    %select_n3A_68 = arith.select %broadcast_in_dim3A_67, %broadcast_in_dim3A_59, %select_n3A_65 : vector<1000x128xi1>, vector<1000x128xf32>
    %add3A_69 = arith.addf %get3A_1, %select_n3A_68 : vector<1000x128xf32>
    %get3A_70 = arith.constant 0 : index
    %get3A_71 = arith.constant 0 : index
    %get3A_72 = vector.load %arg2[%get3A_70, %get3A_71] : memref<128x128xf32, #tpu.memory_space<vmem>>, vector<128x128xf32>
    %dot_general3A = arith.constant dense<0.000000e+00> : vector<1000x128xf32>
    %dot_general3A_73 = tpu.matmul %add3A_69, %get3A_72, %dot_general3A {dimension_numbers = #tpu.dot_dimension_numbers<[1], [0], [0], [1], [0, 0, 1, 1], [], []>, precision = #tpu.contract_precision<fp32>, transpose_lhs_hint = false} : vector<1000x128xf32>, vector<128x128xf32>, vector<1000x128xf32> -> vector<1000x128xf32>
    %max3A_74 = arith.constant 0.000000e+00 : f32
    %max3A_75 = vector.broadcast %max3A_74 : f32 to vector<1000x128xf32>
    %max3A_76 = arith.maximumf %dot_general3A_73, %max3A_75 : vector<1000x128xf32>
    %swap3A = arith.constant 0 : index
    %swap3A_77 = arith.constant 0 : index
    %swap3A_78 = vector.load %arg5[%swap3A, %swap3A_77] : memref<1000x128xf32, #tpu.memory_space<vmem>>, vector<1000x128xf32>
    tpu.vector_store %arg5[%swap3A, %swap3A_77], %max3A_76 {strides = array<i32>} : memref<1000x128xf32, #tpu.memory_space<vmem>>, vector<1000x128xf32>,
    return
  }
  func.func @transform_0(%arg0: i32) -> (i32, i32) {
    %c0_i32 = arith.constant 0 : i32
    %c0_i32_0 = arith.constant 0 : i32
    return %arg0, %c0_i32 : i32, i32
  }
  func.func @transform_1(%arg0: i32) -> (i32, i32) {
    %c0_i32 = arith.constant 0 : i32
    %c0_i32_0 = arith.constant 0 : i32
    %c0_i32_1 = arith.constant 0 : i32
    return %c0_i32, %c0_i32_0 : i32, i32
  }
  func.func @transform_2(%arg0: i32) -> (i32, i32) {
    %c0_i32 = arith.constant 0 : i32
    %c0_i32_0 = arith.constant 0 : i32
    return %arg0, %c0_i32 : i32, i32
  }
  func.func @transform_3(%arg0: i32) -> (i32, i32) {
    %c0_i32 = arith.constant 0 : i32
    %c0_i32_0 = arith.constant 0 : i32
    return %arg0, %c0_i32 : i32, i32
  }
  func.func @transform_4(%arg0: i32) -> (i32, i32) {
    %c0_i32 = arith.constant 0 : i32
    %c0_i32_0 = arith.constant 0 : i32
    return %arg0, %c0_i32 : i32, i32
  }
}

</mosaic_0001>

<sc_bundles>
// kernel: kernel.4.cloned.1.call-start
scs
__scs_entry_jumppad:
0x0: {  	(pc) =	sbr.rel $0x88, $3  }
0x1: {  	(tag) =	ssettag $0x0;
	lr =	simm.s32 $0x1  }
0x2: {  	[smem:$0x3F9E] =	sst lr;
	_ =	strace $0xD0000000  }
0x3: {  	_ = 	snop  }
0x4: {  	_ = 	snop  }
0x5: {  	_ = 	snop  }
0x6: {  	_ = 	snop  }
0x7: {  	_ = 	snop  }
__scs_overlays_trampoline_lowered:
0x8: {  	[smem:$0x3FAD] =	sst s0  }
0x9: {  	[smem:$0x3FAE] =	sst s1  }
0xa: {  	[smem:$0x3FAF] =	sst s2  }
0xb: {  	[smem:$0x3FB0] =	sst s3  }
0xc: {  	[smem:$0x3FB1] =	sst s4  }
0xd: {  	[smem:$0x3FB2] =	sst s5  }
0xe: {  	[smem:$0x3FB3] =	sst s6  }
0xf: {  	[smem:$0x3FB4] =	sst s7  }
0x10: {  	[smem:$0x3FB5] =	sst s8  }
0x11: {  	[smem:$0x3FB6] =	sst s9;
	s0 =	simm.s32 @!p0 $0x0  }
0x12: {  	s1 =	sld [smem:$0x3F9C];
	s0 =	simm.s32 @p0 $0x1  }
0x13: {  	[smem:$0x3FB7] =	sst s0;
	s0 =	simm.s32 @!p1 $0x0  }
0x14: {  	s2 =	sld [smem:$0x3F9B];
	s0 =	simm.s32 @p1 $0x1  }
0x15: {  	[smem:$0x3FB8] =	sst s0;
	s0 =	simm.s32 @!p2 $0x0  }
0x16: {  	s3 =	sld [smem:$0x3FDB];
	s0 =	simm.s32 @p2 $0x1  }
0x17: {  	s4 =	simm.s32 $0x1BF5;
	[smem:$0x3FBA] =	sst s0  }
0x18: {  	s0 =	sld [smem:$0x3F9D];
	_ =	swait.ge [sflag:s4], $0x0  }
0x19: {  	s7 =	sld [smem:$0x3F9E]  }
0x1a: {  	s8 =	sadd.s32 $0xFFFFE003, lr  }
0x1b: {  	s9 =	sadd.s32 $0xFFFFFEF7, lr;
	s5 =	simm.s32 $0xFFFFFFFF;
	p2 =	slt.u32 s8, $0xFFFFF086  }
0x1c: {  	p1 =	slt.u32 s9, $0xF7A;
	s5 =	simm.s32 @!p2 $0x0  }
0x1d: {  	s5 =	simm.s32 @p1 $0x1;
	p0 =	seq.s32 s7, s2  }
0x1e: {  	s7 =	smul.u32 @!p0 $0xF7A, s2;
	p2 =	seq.s32 @!p0 s5, $0x0  }
0x1f: {  	s9 =	smul.u32 $0xF7A, s1;
	s8 =	simm.s32 @!p0 $0x1BF5;
	p2 =	por !p2, p0  }
0x20: {  	[sflag:s8] =	ssyncset.s32 @!p0 $0xFFFFF086;
	s6 =	sadd.s32 @!p0 s3, s7;
	s7 =	simm.s32 @!p0 $0x108  }
0x21: {  	s3 =	sadd.s32 s3, s9;
	s6 =	sadd.s32 @!p0 $0x88, s6;
	s7 =	simm.s32 @p2 $0x1082  }
0x22: {  	[simem:s7], [sflag:s8] =	dma.local @!p0 [hbm:s6], $0xF7A  }
0x23: {  	s9 =	sor.u32 $0xD0000000, s2;
	s6 =	simm.s32 $0x108;
	_ =	swait.ge @!p0 [sflag:s8], $0x0  }
0x24: {  	s3 =	sadd.s32 $0x88, s3;
	s6 =	simm.s32 @!p1 $0x1082;
	[sflag:s4] =	ssyncset.s32 $0xFFFFF086  }
0x25: {  	[simem:s6], [sflag:s4] =	dma.local [hbm:s3], $0xF7A  }
0x26: {  	[smem:$0x3F9E] =	sst s1;
	(tag) =	ssettag s2;
	_ =	strace s9  }
0x27: {  	s1 =	sld [smem:$0x3FAE]  }
0x28: {  	s2 =	sld [smem:$0x3FAF]  }
0x29: {  	s4 =	sld [smem:$0x3FB1]  }
0x2a: {  	p0 =	seq.s32 s5, $0x0;
	s5 =	sld [smem:$0x3FB2]  }
0x2b: {  	s6 =	sld [smem:$0x3FB3]  }
0x2c: {  	s7 =	sld [smem:$0x3FB4]  }
0x2d: {  	s3 =	simm.s32 $0x108;
	s8 =	sld [smem:$0x3FB5]  }
0x2e: {  	s3 =	simm.s32 @!p0 $0x1082;
	s9 =	sld [smem:$0x3FB6]  }
0x2f: {  	lr =	sadd.s32 s0, s3;
	s0 =	sld [smem:$0x3FAD]  }
0x30: {  	s3 =	sld [smem:$0x3FB0]  }
0x31: {  	[smem:$0x3FB9] =	sst s10  }
0x32: {  	s10 =	sld [smem:$0x3FB7];
	_ =	sdelay $0x3  }
0x33: {  	p0 =	seq.s32 s10, $0x1;
	s10 =	sld [smem:$0x3FB9];
	_ =	sdelay $0x3  }
0x34: {  	[smem:$0x3FB9] =	sst s10  }
0x35: {  	s10 =	sld [smem:$0x3FB8];
	_ =	sdelay $0x3  }
0x36: {  	p1 =	seq.s32 s10, $0x1;
	s10 =	sld [smem:$0x3FB9];
	_ =	sdelay $0x3  }
0x37: {  	[smem:$0x3FB9] =	sst s10  }
0x38: {  	s10 =	sld [smem:$0x3FBA]  }
0x39: {  	_ = 	snop;
	(pc) =	sbr.ind lr, $3  }
0x3a: {  	_ = 	snop  }
0x3b: {  	_ = 	snop  }
0x3c: {  	p2 =	seq.s32 s10, $0x1;
	s10 =	sld [smem:$0x3FB9]  }
0x3d: {  	_ =	shalt  }
0x3e: {  	_ =	shalt  }
0x3f: {  	_ =	shalt  }
0x40: {  	_ =	shalt  }
0x41: {  	_ =	shalt  }
0x42: {  	_ =	shalt  }
0x43: {  	_ =	shalt  }
0x44: {  	_ =	shalt  }
0x45: {  	_ =	shalt  }
0x46: {  	_ =	shalt  }
0x47: {  	_ =	shalt  }
0x48: {  	_ =	shalt  }
0x49: {  	_ =	shalt  }
0x4a: {  	_ =	shalt  }
0x4b: {  	_ =	shalt  }
0x4c: {  	_ =	shalt  }
0x4d: {  	_ =	shalt  }
0x4e: {  	_ =	shalt  }
0x4f: {  	_ =	shalt  }
0x50: {  	_ =	shalt  }
0x51: {  	_ =	shalt  }
0x52: {  	_ =	shalt  }
0x53: {  	_ =	shalt  }
0x54: {  	_ =	shalt  }
0x55: {  	_ =	shalt  }
0x56: {  	_ =	shalt  }
0x57: {  	_ =	shalt  }
0x58: {  	_ =	shalt  }
0x59: {  	_ =	shalt  }
0x5a: {  	_ =	shalt  }
0x5b: {  	_ =	shalt  }
0x5c: {  	_ =	shalt  }
0x5d: {  	_ =	shalt  }
0x5e: {  	_ =	shalt  }
0x5f: {  	_ =	shalt  }
0x60: {  	_ =	shalt  }
0x61: {  	_ =	shalt  }
0x62: {  	_ =	shalt  }
0x63: {  	_ =	shalt  }
0x64: {  	_ =	shalt  }
0x65: {  	_ =	shalt  }
0x66: {  	_ =	shalt  }
0x67: {  	_ =	shalt  }
0x68: {  	_ =	shalt  }
0x69: {  	_ =	shalt  }
0x6a: {  	_ =	shalt  }
0x6b: {  	_ =	shalt  }
0x6c: {  	_ =	shalt  }
0x6d: {  	_ =	shalt  }
0x6e: {  	_ =	shalt  }
0x6f: {  	_ =	shalt  }
0x70: {  	_ =	shalt  }
0x71: {  	_ =	shalt  }
0x72: {  	_ =	shalt  }
0x73: {  	_ =	shalt  }
0x74: {  	_ =	shalt  }
0x75: {  	_ =	shalt  }
0x76: {  	_ =	shalt  }
0x77: {  	_ =	shalt  }
0x78: {  	_ =	shalt  }
0x79: {  	_ =	shalt  }
0x7a: {  	_ =	shalt  }
0x7b: {  	_ =	shalt  }
0x7c: {  	_ =	shalt  }
0x7d: {  	_ =	shalt  }
0x7e: {  	_ =	shalt  }
0x7f: {  	_ =	shalt  }
0x80: {  	_ =	shalt  }
0x81: {  	_ =	shalt  }
0x82: {  	_ =	shalt  }
0x83: {  	_ =	shalt  }
0x84: {  	_ =	shalt  }
0x85: {  	_ =	shalt  }
0x86: {  	_ =	shalt  }
0x87: {  	_ =	shalt  }
.Lfunc_end0:
.L_simem_size_0:
called_computation_lowered:
.L_overlay_start_0:
0x88: {  	s2 =	sld [smem:$0x3FD9]  }
0x89: {  	s3 =	sld [smem:$0x3FFE];
	_ =	sdelay $0x1  }
0x8a: {  	s1 =	srdreg.scid  }
0x8b: {  	s0 =	sand.u32 $0x1, s1  }
0x8c: {  	s17 =	sshll.u32 s0, $0xA;
	s2 =	sadd.s32 s3, s2  }
0x8d: {  	s2 =	sadd.s32 s2, s17  }
0x8e: {  	[smem:$0x3FC5] =	sst s2  }
0x8f: {  	_ = 	snop  }
0x90: {  	s2 =	sld [smem:$0x3FC9]  }
0x91: {  	s18 =	sld [smem:$0x3FD0];
	(tm) =	ssettm $0x1  }
0x92: {  	s4 =	sld [smem:$0x3FFB];
	_ =	sdelay $0x3  }
0x93: {  	_ =	strace s4  }
0x94: {  	s4 =	sld [smem:$0x3FFC];
	_ =	sdelay $0x3  }
0x95: {  	_ =	strace s4  }
0x96: {  	s4 =	sld [smem:$0x3FFD];
	_ =	sdelay $0x3  }
0x97: {  	_ =	strace s4  }
0x98: {  	_ =	strace $0x8FFFFFFF  }
0x99: {  	s19 =	sld [smem:$0x3FDB];
	_ =	sdelay $0x1  }
0x9a: {  	s5 =	simm.s32 $_scs_section_size  }
0x9b: {  	s6 =	simm.s32 $_size__tile_overlayer_lowered;
	s7 =	simm.s32 $_tile_overlayer_lowered  }
0x9c: {  	s22 =	simm.s32 $0x1BFF;
	s21 =	sshll.u32 s7, $0x1;
	s4 =	sadd.s32 s5, s19  }
0x9d: {  	s8 =	simm.s32 $0x0;
	s20 =	sshll.u32 s6, $0x1;
	s6 =	sadd.s32 s21, s4  }
0x9e: {  	[timem:s8], [sflag:s22] =	dma.local [hbm:s6], s20  }
0x9f: {  	_ =	swait.ge [sflag:s22], s20  }
0xa0: {  	s5 =	ssub.s32 $0x0, s20;
	[sflag:s22] =	ssyncset.done $0x0  }
0xa1: {  	[sflag:s22] =	ssyncadd.s32 s5;
	_ =	sdelay $0x1  }
0xa2: {  	s23 =	simm.s32 $0x1B8B  }
0xa3: {  	_ =	swait.ge [sflag:s23], $0x1  }
0xa4: {  	[sflag:s23] =	ssyncset.done $0x0  }
0xa5: {  	s25 =	simm.s32 $0x1B8E;
	s24 =	sld [smem:$0x3FFE];
	[sflag:s23] =	ssyncadd.s32 $0xFFFFFFFF  }
0xa6: {  	s26 =	simm.s32 $execute0_lowered;
	[smem:$0x3FD2] =	sst s25  }
0xa7: {  	s6 =	sshll.u32 s26, $0x1;
	_ =	strace $0x80000046;
	[dreg:$0x1] =	wrdreg $0xFFFFFFFF  }
0xa8: {  	s28 =	simm.s32 $_size_execute0_lowered;
	s4 =	sadd.s32 s4, s6;
	[dreg:$0x0] =	wrdreg $0x0  }
0xa9: {  	s6 =	sshll.u32 s28, $0x1;
	[dreg:$0x2] =	wrdreg s4  }
0xaa: {  	[dreg:$0x3] =	wrdreg s6  }
0xab: {  	[dreg:$0x4] =	wrdreg $0xC0  }
0xac: {  	_ =	task [dreg:s8], $0x5FFFF  }
0xad: {  	[dreg:$0x1] =	wrdreg $0xFFFFFFFF  }
0xae: {  	[dreg:$0x0] =	wrdreg $0x60  }
0xaf: {  	[dreg:$0x2] =	wrdreg s2  }
0xb0: {  	[dreg:$0x3] =	wrdreg s24  }
0xb1: {  	[dreg:$0x4] =	wrdreg s18  }
0xb2: {  	[dreg:$0x5] =	wrdreg $0x122800  }
0xb3: {  	[dreg:$0x6] =	wrdreg $0x1C3000  }
0xb4: {  	[dreg:$0x7] =	wrdreg $0x9  }
0xb5: {  	_ =	task.clear_ibuf [dreg:s8], $0x8FFFF;
	_ =	strace $0x90000046  }
0xb6: {  	s29 =	simm.s32 $0x9;
	_ =	strace $0x80000048  }
0xb7: {  	_ =	swait.ge [sflag:s29], $0x1  }
0xb8: {  	[sflag:s29] =	ssyncadd.s32 $0xFFFFFFFF  }
0xb9: {  	_ =	strace $0x90000048  }
0xba: {  	_ =	sfence  }
0xbb: {  	s30 =	sld [smem:$0x0];
	_ =	sdelay $0x2  }
0xbc: {  	s31 =	sshll.u32 s1, $0xD;
	s1 =	sshrl.u32 s1, $0x2  }
0xbd: {  	s3 =	sand.u32 $0x4000, s31;
	s1 =	sadd.s32 s1, s30  }
0xbe: {  	s0 =	sor.u32 s3, s0;
	s1 =	sshll.u32 s1, $0x11  }
0xbf: {  	s0 =	sor.u32 s1, s0  }
0xc0: {  	s0 =	sadd.s32 $0x8F2B, s0  }
0xc1: {  	[sflag:s0] =	ssyncadd.remote.s32 $0x1  }
0xc2: {  	_ =	sfence.sel $0xFFFF  }
0xc3: {  	[dreg:$0x0] =	wrdreg $0xFFFFFFFF;
	(pc) =	sbr.abs _section_cstart, $3  }
0xc4: {  	[dreg:$0x1] =	wrdreg $0xFFFFFFFF  }
0xc5: {  	_ =	task.clear_ibuf [dreg:s8], $0x2FFFF;
	_ =	strace $0x9FFFFFFF  }
0xc6: {  	(tm) =	ssettm $0x7FFFFFFF  }
0xc7: {  	_ =	shalt  }
tec
execute0_lowered:
.L_overlay_start_1:
0x0: {  	(tag) =	ssettag $0x1  }
0x1: {  	s1 =	rddreg [dreg:$0x0]  }
0x2: {  	s9 =	rddreg [dreg:$0x1]  }
0x3: {  	s12 =	rddreg [dreg:$0x2]  }
0x4: {  	s3 =	rddreg [dreg:$0x3]  }
0x5: {  	s4 =	rddreg [dreg:$0x4]  }
0x6: {  	s2 =	stileid.u32;
	s7 =	srdreg.scid;
	s5 =	simm.s32 $0x0  }
0x7: {  	s19 =	simm.s32 $0x5040;
	s21 =	simm.s32 $0xA080;
	s6 =	smul.u32 $0xA00, s2  }
0x8: {  	s22 =	simm.s32 $0x0;
	s10 =	sand.u32 $0x1, s7;
	s11 =	smul.u32 $0xA08, s2  }
0x9: {  	[smem:$0x7FF] =	sst s5;
	s7 =	sadd.s32 $0x16200, s9;
	s16 =	smul.u32 $0xA080, s2  }
0xa: {  	s8 =	sadd.s32 $0x16400, s9;
	s30 =	sshll.u32 s2, $0x6;
	s13 =	smul.u32 $0xA080, s10  }
0xb: {  	_ =	strace $0x80000047;
	s15 =	ssub.s32 $0x2, s10;
	s17 =	smul.u32 $0xA0800, s10  }
0xc: {  	s20 =	smul.u32 $0xFFFFEC00, s10;
	s14 =	sadd.s32 s6, s9;
	s6 =	sadd.s32 $0x14C00, s9  }
0xd: {  	s29 =	sshrl.u32 s15, $0x1;
	s18 =	sadd.s32 s16, s3;
	s31 =	sadd.s32 s11, s4  }
0xe: {  	s13 =	sadd.s32 s11, s13;
	s15 =	ssub.s32 s15, s29;
	s16 =	sadd.s32 s16, s17  }
.Ltmp0:
0xf: {  	s10 =	sadd.s32 $0xAC00, s14;
	s11 =	sadd.s32 $0xC00, s14;
	(pc) =	sbr.rel .LBB2_1-.Ltmp0, $4  }
0x10: {  	s17 =	sshrl.u32 s31, $0x3;
	v0 =	vmov s20;
	s20 =	simm.s32 $0x40;
	s13 =	sshrl.u32 s13, $0x3  }
0x11: {  	s16 =	sshrl.u32 s16, $0x3;
	s14 =	smax.u32 s15, $0x1;
	s15 =	sshrl.u32 s18, $0x3  }
0x12: {  	s18 =	simm.s32 $0x12080;
	s13 =	sadd.s32 s13, s9;
	s9 =	sor.u32 $0x1C05, s30  }
0x13: {  	v1 =	vimm.s32 $0x0;
	v2 =	vimm.s32 $0x1400;
	s12 =	sadd.s32 s12, s16;
	s16 =	simm.s32 $0x5;
	s13 =	sadd.s32 $0x16600, s13  }
.LBB2_9:
0x14: {  	[bflag:$0x0] =	sbarrier.arrive $0xFFFF  }
0x15: {  	[hbm:s12], [sflag:s9] =	dma.local [spmem:s15], $0x1410  }
0x16: {  	s22 =	sadd.s32 $0x1, s22;
	_ =	swait.ge [sflag:s16], $0x1410  }
0x17: {  	p0 =	sne.s32 s22, s14;
	[sflag:s16] =	ssyncset.done $0x0  }
.Ltmp1:
0x18: {  	[sflag:s16] =	ssyncadd.s32 $0xFFFFEBF0;
	(pc) =	sbr.rel @!p0 .LBB2_10-.Ltmp1, $4  }
0x19: {  	[hbm:s13], [sflag:s9] =	dma.local [spmem:s17], $0x141  }
0x1a: {  	_ =	swait.ge [sflag:s16], $0x141  }
0x1b: {  	[sflag:s16] =	ssyncset.done $0x0  }
0x1c: {  	[sflag:s16] =	ssyncadd.s32 $0xFFFFFEBF  }
.LBB2_1:
0x1d: {  	[spmem:s15], [sflag:s9] =	dma.local [hbm:s6], $0x1410  }
0x1e: {  	_ =	swait.ge [sflag:s16], $0x1410  }
0x1f: {  	[sflag:s16] =	ssyncset.done $0x0  }
0x20: {  	[sflag:s16] =	ssyncadd.s32 $0xFFFFEBF0  }
0x21: {  	[spmem:s17], [sflag:s9] =	dma.local [hbm:s7], $0x141  }
0x22: {  	_ =	swait.ge [sflag:s16], $0x141  }
0x23: {  	[sflag:s16] =	ssyncset.done $0x0  }
0x24: {  	[sflag:s16] =	ssyncadd.s32 $0xFFFFFEBF  }
0x25: {  	[tilespmem:s18], [sflag:$0x5] =	stream.linear.gather [hbm4b:s8+s5], $0x200, $0x38;
	[tilespmem:$0x1CD08] =	vst v63  }
0x26: {  	_ =	swait.ge [sflag:s16], $0x200  }
0x27: {  	[sflag:s16] =	ssyncset.done $0x0  }
0x28: {  	[sflag:s16] =	ssyncadd.s32 $0xFFFFFE00  }
0x29: {  	[tilespmem:s5], [sflag:$0x5] =	stream.linear.gather [hbm4b:s10+s5], $0x5000, $0x38;
	[tilespmem:$0x1CD08] =	vst v63  }
0x2a: {  	_ =	swait.ge [sflag:s16], $0x5000  }
0x2b: {  	[sflag:s16] =	ssyncset.done $0x0  }
0x2c: {  	[sflag:s16] =	ssyncadd.s32 $0xFFFFB000  }
0x2d: {  	[tilespmem:s19], [sflag:$0x5] =	stream.linear.gather [hbm4b:s11+s5], $0x5000, $0x38;
	[tilespmem:$0x1CD08] =	vst v63  }
0x2e: {  	_ =	swait.ge [sflag:s16], $0x5000  }
0x2f: {  	[sflag:s16] =	ssyncset.done $0x0  }
0x30: {  	s23 =	simm.s32 $0x0;
	[sflag:s16] =	ssyncadd.s32 $0xFFFFB000  }
0x31: {  	v3 =	vld [tilespmem:s23+$0x0];
	_ =	sdelay $0x4  }
0x32: {  	v3 =	vadd.s32 v0, v3  }
0x33: {  	vm0 =	vlt.u32 v3, $0x1400  }
0x34: {  	v4 =	vmpcnt.ones.xlane vm0  }
0x35: {  	v5 =	vsel vm0, $0x1, v1  }
0x36: {  	(xrf0) =	vadd.scan.msk.s32 $0xffff, v5;
	(v2sf) =	vpush v4, $0x0;
	_ =	sdelay $0x2  }
0x37: {  	v4 =	vmov s5  }
0x38: {  	v4 =	vadd.s32 $0xFFFFFFFF, v4  }
0x39: {  	v4 =	vbroadcast v4, $0x0  }
0x3a: {  	v5, _, _ =	vpop (xrf0)  }
0x3b: {  	v4 =	vadd.s32 v5, v4  }
0x3c: {  	v5 =	vld [tilespmem:s23+$0x5040];
	_ =	sdelay $0x3  }
0x3d: {  	[tilespmem:v4+s5+$0x0] =	vst.idx.msk vm0, v3  }
0x3e: {  	s24 =	simm.s32 $0x10;
	[tilespmem:v4+s19+$0x0] =	vst.idx.msk vm0, v5  }
0x3f: {  	v3 =	vld [tilespmem:s24+$0x0]  }
0x40: {  	s25 =	simm.s32 $0x80;
	s23 =	simm.s32 $0x0;
	s26 =	spop (v2sf)  }
.LBB2_2:
0x41: {  	p0 =	sne.s32 s25, $0x13FC0  }
0x42: {  	s23 =	sadd.s32 s23, s26;
	s26 =	smov.u32 s25;
	s25 =	sadd.s32 $0x40, s25  }
0x43: {  	v4 =	vmov s23  }
0x44: {  	v3 =	vadd.s32 v0, v3;
	v4 =	vadd.s32 $0xFFFFFFFF, v4  }
0x45: {  	vm0 =	vlt.u32 v3, $0x1400  }
0x46: {  	v5 =	vsel vm0, $0x1, v1;
	v6 =	vmpcnt.ones.xlane vm0  }
0x47: {  	(xrf0) =	vadd.scan.msk.s32 $0xffff, v5  }
0x48: {  	(v2sf) =	vpush v6, $0x0;
	_ =	sdelay $0x3  }
0x49: {  	v4 =	vbroadcast v4, $0x0  }
0x4a: {  	v5, _, _ =	vpop (xrf0)  }
0x4b: {  	v4 =	vadd.s32 v5, v4  }
0x4c: {  	v5 =	vld [tilespmem:s24+$0x5040];
	_ =	sdelay $0x3  }
.Ltmp2:
0x4d: {  	[tilespmem:v4+s5+$0x0] =	vst.idx.msk vm0, v3;
	(pc) =	sbr.rel @p0 .LBB2_2-.Ltmp2, $3  }
0x4e: {  	s24 =	sshra.s32 s26, $0x2;
	[tilespmem:v4+s19+$0x0] =	vst.idx.msk vm0, v5  }
0x4f: {  	v3 =	vld [tilespmem:s24+$0x0];
	_ =	sdelay $0x1  }
0x50: {  	s26 =	spop (v2sf)  }
0x51: {  	_ =	sdelay $0x1  }
0x52: {  	v3 =	vadd.s32 v0, v3  }
0x53: {  	vm0 =	vlt.u32 v3, $0x1400  }
0x54: {  	v4 =	vmpcnt.ones.xlane vm0;
	_ =	sdelay $0x1  }
0x55: {  	(v2sf) =	vpush v4, $0x0;
	_ =	sdelay $0xe  }
0x56: {  	s25 =	sadd.s32 s23, s26;
	s26 =	spop (v2sf)  }
0x57: {  	s28 =	sadd.s32 s25, s26  }
0x58: {  	s30 =	sadd.s32 $0x3F, s28  }
0x59: {  	s29 =	sand.u32 $0x3F, s30  }
0x5a: {  	s31 =	sshra.s32 s30, $0x1F;
	p1 =	slt.s32 s30, $0x1;
	p0 =	sne.s32 s29, $0x0  }
0x5b: {  	s29 =	sshrl.u32 s31, $0x1A;
	p0 =	por !p1, !p0  }
0x5c: {  	s23 =	sadd.s32 s29, s30;
	s29 =	simm.s32 $0x1;
	p0 =	por !p0, !p0  }
0x5d: {  	s23 =	sshra.s32 s23, $0x6;
	s29 =	simm.s32 @!p0 $0x0  }
0x5e: {  	s23 =	ssub.s32 s23, s29  }
0x5f: {  	v61 =	vsel vm0, $0x1, v1;
	s29 =	sshll.u32 s23, $0x6  }
0x60: {  	(xrf0) =	vadd.scan.msk.s32 $0xffff, v61;
	s28 =	ssub.s32 s29, s28  }
0x61: {  	s28 =	sadd.s32 $0xF, s28  }
0x62: {  	s0 =	sand.u32 $0xF, s28  }
0x63: {  	v62 =	vmov s25;
	s30 =	sshra.s32 s28, $0x1F;
	p6 =	slt.s32 s28, $0x1;
	p5 =	sne.s32 s0, $0x0  }
0x64: {  	v4 =	vadd.s32 $0xFFFFFFFF, v62;
	s31 =	sshrl.u32 s30, $0x1C;
	p0 =	por !p6, !p5  }
0x65: {  	v63 =	vld [tilespmem:s24+$0x5040];
	v4 =	vbroadcast v4, $0x0;
	s24 =	sadd.s32 s31, s28;
	s28 =	simm.s32 $0x1;
	p0 =	por !p0, !p0  }
0x66: {  	v5, _, _ =	vpop (xrf0);
	s24 =	sshra.s32 s24, $0x4;
	s28 =	simm.s32 @!p0 $0x0  }
0x67: {  	v4 =	vadd.s32 v5, v4;
	s28 =	ssub.s32 s24, s28  }
0x68: {  	p0 =	slt.s32 s28, $0x1  }
.Ltmp3:
0x69: {  	_ = 	snop;
	(pc) =	sbr.rel @p0 .LBB2_6-.Ltmp3, $3  }
0x6a: {  	_ =	sdelay $0x1  }
0x6b: {  	[tilespmem:v4+s5+$0x0] =	vst.idx.msk vm0, v3  }
0x6c: {  	[tilespmem:v4+s19+$0x0] =	vst.idx.msk vm0, v63  }
0x6d: {  	p0 =	sne.s32 s28, $0x1  }
.Ltmp4:
0x6e: {  	s24 =	sadd.s32 s25, s26;
	(pc) =	sbr.rel @!p0 .LBB2_6-.Ltmp4, $4  }
0x6f: {  	s24 =	sshll.u32 s24, $0x2  }
0x70: {  	s31 =	sshra.s32 s24, $0x2  }
0x71: {  	s24 =	sadd.s32 $0x5040, s31;
	[tilespmem:s31+$0x0] =	vst v2  }
0x72: {  	s25 =	sadd.s32 $0xFFFFFFFF, s28;
	s26 =	sadd.s32 $0x10, s31;
	[tilespmem:s24+$0x0] =	vst v1  }
.LBB2_5:
0x73: {  	[tilespmem:s26+$0x0] =	vst v2;
	s24 =	sadd.s32 $0x10, s24;
	p0 =	sne.s32 s25, $0x1  }
.Ltmp5:
0x74: {  	s25 =	sadd.s32 $0xFFFFFFFF, s25;
	[tilespmem:s24+$0x0] =	vst v1;
	(pc) =	sbr.rel @p0 .LBB2_5-.Ltmp5, $2  }
0x75: {  	_ =	sdelay $0x2  }
0x76: {  	s26 =	sadd.s32 $0x10, s26  }
.LBB2_6:
0x77: {  	p0 =	slt.s32 s23, $0x1  }
.Ltmp6:
0x78: {  	_ = 	snop;
	(pc) =	sbr.rel @p0 .LBB2_9-.Ltmp6, $2  }
0x79: {  	_ =	sdelay $0x1  }
0x7a: {  	[bflag:$0x0] =	sbarrier.arrive $0xFFFF;
	_ =	sdelay $0x1  }
0x7b: {  	[tilespmem:s21], [sflag:$0x1] =	stream.indirect.gather [hbm4b:s1+s20], $0x80, s19, s20, $0xb8;
	[tilespmem:$0x1CD08] =	vst v63  }
0x7c: {  	p0 =	seq.s32 s23, $0x1  }
0x7d: {  	s24 =	simm.s32 @!p0 $0x40  }
0x7e: {  	s25 =	simm.s32 @!p0 $0x5080;
	s26 =	simm.s32 @!p0 $0xC080;
	p1 =	slt.u32 @!p0 s23, $0x3  }
0x7f: {  	[tilespmem:s26], [sflag:$0x2] =	stream.indirect.gather @!p0 [hbm4b:s1+s24], $0x80, s25, s24, $0xb8;
	[tilespmem:$0x1CD08] =	vst v63  }
0x80: {  	p0 =	por p1, p0  }
0x81: {  	s24 =	simm.s32 @!p0 $0x40;
	s25 =	simm.s32 @!p0 $0x50C0;
	s26 =	simm.s32 @!p0 $0xE080  }
0x82: {  	[tilespmem:s26], [sflag:$0x3] =	stream.indirect.gather @!p0 [hbm4b:s1+s24], $0x80, s25, s24, $0xb8;
	[tilespmem:$0x1CD08] =	vst v63  }
0x83: {  	s24 =	simm.s32 $0x0;
	s25 =	simm.s32 $0x5100;
	s26 =	simm.s32 $0x0  }
.LBB2_8:
0x84: {  	s30 =	sand.u32 $0x3, s26  }
0x85: {  	p0 =	sgt.s32 s30, $0x1  }
0x86: {  	p2 =	seq.s32 @p0 s30, $0x2  }
0x87: {  	s29 =	sadd.s32 $0x3, s26;
	p1 =	por !p2, !p0  }
0x88: {  	p3 =	sge.s32 @!p1 s29, s23;
	s28 =	simm.s32 @!p1 $0x3  }
0x89: {  	_ =	swait.ge @!p1 [sflag:s28], $0x2000;
	p3 =	por @p0 p3, !p2  }
0x8a: {  	[sflag:s28] =	ssyncset.done @!p1 $0x0;
	p3 =	por p3, !p0  }
0x8b: {  	[sflag:s28] =	ssyncadd.s32 @!p1 $0xFFFFE000;
	s28 =	simm.s32 @!p3 $0x40;
	s31 =	simm.s32 @!p3 $0xC080  }
0x8c: {  	[tilespmem:s31], [sflag:$0x2] =	stream.indirect.gather @!p3 [hbm4b:s1+s28], $0x80, s25, s28, $0xb8;
	[tilespmem:$0x1CD08] =	vst v63  }
0x8d: {  	s31 =	simm.s32 @!p1 $0x40;
	s28 =	simm.s32 @!p1 $0xE080  }
0x8e: {  	[spmem:s3] =	stream.indirect.scatter.add.f32 @!p1 [tilespmem:s28], [sflag:$0x6], $0x80, s24, s31, $0xb8;
	[tilespmem:$0x1CD08] =	vst v63  }
0x8f: {  	s28 =	simm.s32 @!p1 $0x6  }
0x90: {  	_ =	swait.ge @!p1 [sflag:s28], $0x2000  }
0x91: {  	[sflag:s28] =	ssyncset.done @!p1 $0x0  }
0x92: {  	s0 =	simm.s32 @!p1 $0x12080;
	p3 =	por p2, !p0;
	[sflag:s28] =	ssyncadd.s32 @!p1 $0xFFFFE000  }
0x93: {  	[spmem:s4] =	stream.indirect.scatter.add.f32 @!p1 [tilespmem:s0], [sflag:$0x6], $0x8, s24, s31, $0xb8;
	[tilespmem:$0x1CD08] =	vst v63  }
0x94: {  	p4 =	sge.s32 @!p3 s29, s23;
	s0 =	simm.s32 @!p3 $0x4  }
0x95: {  	p2 =	por @p0 p4, p2;
	_ =	swait.ge @!p3 [sflag:s0], $0x2000  }
0x96: {  	p2 =	por p2, !p0;
	[sflag:s0] =	ssyncset.done @!p3 $0x0  }
0x97: {  	s31 =	simm.s32 @!p2 $0xE080;
	[sflag:s0] =	ssyncadd.s32 @!p3 $0xFFFFE000;
	s0 =	simm.s32 @!p2 $0x40  }
0x98: {  	[tilespmem:s31], [sflag:$0x3] =	stream.indirect.gather @!p2 [hbm4b:s1+s0], $0x80, s25, s0, $0xb8;
	[tilespmem:$0x1CD08] =	vst v63  }
0x99: {  	s0 =	simm.s32 @!p3 $0x40;
	s31 =	simm.s32 @!p3 $0x10080  }
0x9a: {  	[spmem:s3] =	stream.indirect.scatter.add.f32 @!p3 [tilespmem:s31], [sflag:$0x6], $0x80, s24, s0, $0xb8;
	[tilespmem:$0x1CD08] =	vst v63  }
0x9b: {  	s31 =	simm.s32 @!p3 $0x6  }
0x9c: {  	_ =	swait.ge @!p3 [sflag:s31], $0x2000  }
0x9d: {  	[sflag:s31] =	ssyncset.done @!p3 $0x0  }
0x9e: {  	[sflag:s31] =	ssyncadd.s32 @!p3 $0xFFFFE000;
	s31 =	simm.s32 @!p3 $0x12080  }
0x9f: {  	[spmem:s4] =	stream.indirect.scatter.add.f32 @!p3 [tilespmem:s31], [sflag:$0x5], $0x8, s24, s0, $0xb8;
	[tilespmem:$0x1CD08] =	vst v63  }
0xa0: {  	p3 =	seq.s32 @!p0 s30, $0x0  }
0xa1: {  	p2 =	por !p3, p0  }
0xa2: {  	p4 =	sge.s32 @!p2 s29, s23;
	s0 =	simm.s32 @!p2 $0x1  }
0xa3: {  	_ =	swait.ge @!p2 [sflag:s0], $0x2000;
	p4 =	por @!p0 p4, !p3  }
0xa4: {  	[sflag:s0] =	ssyncset.done @!p2 $0x0;
	p4 =	por p4, p0  }
0xa5: {  	[sflag:s0] =	ssyncadd.s32 @!p2 $0xFFFFE000;
	s0 =	simm.s32 @!p4 $0x40;
	s30 =	simm.s32 @!p4 $0x10080  }
0xa6: {  	[tilespmem:s30], [sflag:$0x4] =	stream.indirect.gather @!p4 [hbm4b:s1+s0], $0x80, s25, s0, $0xb8;
	[tilespmem:$0x1CD08] =	vst v63  }
0xa7: {  	s0 =	simm.s32 @!p2 $0x40;
	s30 =	simm.s32 @!p2 $0xA080  }
0xa8: {  	[spmem:s3] =	stream.indirect.scatter.add.f32 @!p2 [tilespmem:s30], [sflag:$0x6], $0x80, s24, s0, $0xb8;
	[tilespmem:$0x1CD08] =	vst v63  }
0xa9: {  	s30 =	simm.s32 @!p2 $0x6  }
0xaa: {  	_ =	swait.ge @!p2 [sflag:s30], $0x2000  }
0xab: {  	[sflag:s30] =	ssyncset.done @!p2 $0x0  }
0xac: {  	s31 =	simm.s32 @!p2 $0x12080;
	p4 =	por p3, p0;
	[sflag:s30] =	ssyncadd.s32 @!p2 $0xFFFFE000  }
0xad: {  	[spmem:s4] =	stream.indirect.scatter.add.f32 @!p2 [tilespmem:s31], [sflag:$0x6], $0x8, s24, s0, $0xb8;
	[tilespmem:$0x1CD08] =	vst v63  }
0xae: {  	p5 =	sge.s32 @!p4 s29, s23;
	s0 =	simm.s32 @!p4 $0x2  }
0xaf: {  	p3 =	por @!p0 p5, p3;
	_ =	swait.ge @!p4 [sflag:s0], $0x2000  }
0xb0: {  	p3 =	por p3, p0;
	[sflag:s0] =	ssyncset.done @!p4 $0x0  }
0xb1: {  	s29 =	simm.s32 @!p3 $0xA080;
	[sflag:s0] =	ssyncadd.s32 @!p4 $0xFFFFE000;
	s0 =	simm.s32 @!p3 $0x40  }
0xb2: {  	[tilespmem:s29], [sflag:$0x1] =	stream.indirect.gather @!p3 [hbm4b:s1+s0], $0x80, s25, s0, $0xb8;
	[tilespmem:$0x1CD08] =	vst v63  }
0xb3: {  	s0 =	simm.s32 @!p4 $0x40;
	s29 =	simm.s32 @!p4 $0xC080  }
0xb4: {  	[spmem:s3] =	stream.indirect.scatter.add.f32 @!p4 [tilespmem:s29], [sflag:$0x6], $0x80, s24, s0, $0xb8;
	[tilespmem:$0x1CD08] =	vst v63  }
0xb5: {  	s26 =	sadd.s32 $0x1, s26;
	s29 =	simm.s32 @!p4 $0x6  }
0xb6: {  	s28 =	simm.s32 @p1 $0x5;
	s30 =	simm.s32 @p2 $0x6;
	_ =	swait.ge @!p4 [sflag:s29], $0x2000  }
0xb7: {  	s30 =	smov.u32 @p0 s28;
	p0 =	sne.s32 s23, s26;
	[sflag:s29] =	ssyncset.done @!p4 $0x0  }
.Ltmp7:
0xb8: {  	[sflag:s29] =	ssyncadd.s32 @!p4 $0xFFFFE000;
	s29 =	simm.s32 @!p4 $0x12080;
	(pc) =	sbr.rel @p0 .LBB2_8-.Ltmp7, $4  }
0xb9: {  	[spmem:s4] =	stream.indirect.scatter.add.f32 @!p4 [tilespmem:s29], [sflag:$0x6], $0x8, s24, s0, $0xb8;
	[tilespmem:$0x1CD08] =	vst v63  }
0xba: {  	_ =	swait.ge [sflag:s30], $0x200  }
0xbb: {  	[sflag:s30] =	ssyncset.done $0x0  }
0xbc: {  	s25 =	sadd.s32 $0x40, s25;
	s24 =	sadd.s32 $0x40, s24;
	[sflag:s30] =	ssyncadd.s32 $0xFFFFFE00  }
.Ltmp8:
0xbd: {  	_ = 	snop;
	(pc) =	sbr.rel .LBB2_9-.Ltmp8, $1  }
0xbe: {  	_ =	sdelay $0x3  }
.LBB2_10:
0xbf: {  	_ =	sfence.sel $0x180000  }
0xc0: {  	[bflag:$0x0] =	sbarrier.arrive $0xFFFF  }
0xc1: {  	_ =	strace $0x90000047  }
0xc2: {  	[bflag:$0x2] =	sbarrier.arrive $0xFFFF  }
0xc3: {  	p0 =	sne.s32 s2, $0x0;
	s0 =	rddreg [dreg:$0x5]  }
0xc4: {  	s0 =	sadd.s32 @!p0 $0x100000, s0  }
0xc5: {  	[sflag:s0] =	ssyncadd.tile.s32 @!p0 $0x1;
	_ =	shalt  }
.Lfunc_end2:
_tile_overlayer_lowered:
.L_overlay_start_2:
0xc6: {  	(tag) =	ssettag $0x2  }
0xc7: {  	s0 =	rddreg [dreg:$0x0];
	s2 =	stileid.u32  }
0xc8: {  	s1 =	rddreg [dreg:$0x1];
	p0 =	sne.s32 s2, $0x0  }
0xc9: {  	s3 =	rddreg [dreg:$0x2];
	[bflag:$0x3] =	sbarrier.arrive $0xFFFF;
	s2 =	simm.s32 @!p0 $0x1C05  }
0xca: {  	[timem:s3], [sflag:s2] =	dma.local @!p0 [hbm:s0], s1  }
0xcb: {  	s0 =	simm.s32 @!p0 $0x5  }
0xcc: {  	_ =	swait.ge @!p0 [sflag:s0], s1  }
0xcd: {  	s1 =	ssub.s32 @!p0 $0x0, s1;
	[sflag:s0] =	ssyncset.done @!p0 $0x0  }
0xce: {  	[sflag:s0] =	ssyncadd.s32 @!p0 s1  }
0xcf: {  	[bflag:$0x3] =	sbarrier.arrive $0xFFFF  }
0xd0: {  	_ =	shalt  }

</sc_bundles>
